<compile_context>
chip_gen: v7x
topology: tpu7x:2x2x1
jax: 0.10.2.dev20260603
libtpu: 0.0.44.dev20260713+nightly
codegen_flags: <defaults>
</compile_context>

<pallas_src>
import functools

import jax
import jax.numpy as jnp
from jax import lax
from jax.experimental import pallas as pl
from jax.experimental.pallas import tpu as pltpu
from jax.experimental.pallas import tpu_sc as plsc

N = 10000
E = 320000
D = 128
NC = 2
NS = 16
NW = NC * NS
K = 128
NCHUNKS = E // K
BASE_CH = NCHUNKS // NW
EXTRA = NCHUNKS - BASE_CH * NW
RPT = 624
RTAIL = N - NS * RPT
DW = 16


def _sc_body(want_deg, *refs):
    if want_deg:
        (x_hbm, src_hbm, dst_hbm, z2d, z1d, ones_hbm,
         agg_out, deg_out, src_v, dst_v, rows_v, ones_v, agg_sh, deg_sh) = refs
    else:
        (x_hbm, src_hbm, dst_hbm, z2d,
         agg_out, src_v, dst_v, rows_v, agg_sh) = refs

    cid = lax.axis_index("c")
    sid = lax.axis_index("s")
    wid = cid * NS + sid

    pltpu.sync_copy(z2d.at[pl.ds(sid * RPT, RPT)], agg_sh.at[pl.ds(sid * RPT, RPT)])
    if want_deg:
        pltpu.sync_copy(z1d.at[pl.ds(sid * RPT, RPT)], deg_sh.at[pl.ds(sid * RPT, RPT)])
        pltpu.sync_copy(ones_hbm, ones_v)

    @pl.when(sid == NS - 1)
    def _():
        t0 = pl.ds(NS * RPT, RTAIL)
        pltpu.sync_copy(z2d.at[t0], agg_sh.at[t0])
        if want_deg:
            pltpu.sync_copy(z1d.at[t0], deg_sh.at[t0])

    plsc.subcore_barrier()

    nch = BASE_CH + jnp.where(wid < EXTRA, 1, 0)

    def chunk(j, carry):
        b = (j * NW + wid) * K
        pltpu.sync_copy(src_hbm.at[pl.ds(b, K)], src_v)
        pltpu.sync_copy(dst_hbm.at[pl.ds(b, K)], dst_v)
        pltpu.sync_copy(x_hbm.at[src_v], rows_v)
        pltpu.sync_copy(rows_v, agg_sh.at[dst_v], add=True)
        if want_deg:
            pltpu.sync_copy(ones_v, deg_sh.at[dst_v], add=True)
        return carry

    lax.fori_loop(0, nch, chunk, 0)
    plsc.subcore_barrier()

    r0 = pl.ds(sid * RPT, RPT)
    pltpu.sync_copy(agg_sh.at[r0], agg_out.at[pl.ds(cid * N + sid * RPT, RPT)])
    if want_deg:
        pltpu.sync_copy(deg_sh.at[r0], deg_out.at[pl.ds(cid * N + sid * RPT, RPT)])

    @pl.when(sid == NS - 1)
    def _():
        t0 = pl.ds(NS * RPT, RTAIL)
        to = pl.ds(cid * N + NS * RPT, RTAIL)
        pltpu.sync_copy(agg_sh.at[t0], agg_out.at[to])
        if want_deg:
            pltpu.sync_copy(deg_sh.at[t0], deg_out.at[to])


def _make_sc(want_deg):
    mesh = plsc.VectorSubcoreMesh(core_axis_name="c", subcore_axis_name="s")
    out_type = [jax.ShapeDtypeStruct((NC * N, D), jnp.float32)]
    scratch = [
        pltpu.VMEM((K,), jnp.int32),
        pltpu.VMEM((K,), jnp.int32),
        pltpu.VMEM((K, D), jnp.float32),
    ]
    shared = [pltpu.VMEM_SHARED((N, D), jnp.float32)]
    if want_deg:
        out_type.append(jax.ShapeDtypeStruct((NC * N, DW), jnp.float32))
        scratch.append(pltpu.VMEM((K, DW), jnp.float32))
        shared.append(pltpu.VMEM_SHARED((N, DW), jnp.float32))
    return pl.kernel(
        functools.partial(_sc_body, want_deg),
        out_type=tuple(out_type) if want_deg else out_type[0],
        mesh=mesh,
        scratch_types=scratch + shared,
        compiler_params=pltpu.CompilerParams(use_tc_tiling_on_sc=False),
    )


_sc_agg_deg = _make_sc(True)
_sc_agg = _make_sc(False)


def _tc_layer(x, aggp, degp, w_self, w_neigh, b, relu):
    nb = 10
    br = N // nb

    def body(x_ref, aggp_ref, degp_ref, ws_ref, wn_ref, b_ref, o_ref):
        agg = aggp_ref[0] + aggp_ref[1]
        deg = degp_ref[0, :, 0:1] + degp_ref[1, :, 0:1]
        h = agg / jnp.maximum(deg, 1.0)
        o = (jnp.dot(x_ref[...], ws_ref[...], preferred_element_type=jnp.float32)
             + jnp.dot(h, wn_ref[...], preferred_element_type=jnp.float32)
             + b_ref[...])
        o_ref[...] = jnp.maximum(o, 0.0) if relu else o

    return pl.pallas_call(
        body,
        grid=(nb,),
        in_specs=[
            pl.BlockSpec((br, D), lambda i: (i, 0)),
            pl.BlockSpec((2, br, D), lambda i: (0, i, 0)),
            pl.BlockSpec((2, br, DW), lambda i: (0, i, 0)),
            pl.BlockSpec((D, D), lambda i: (0, 0)),
            pl.BlockSpec((D, D), lambda i: (0, 0)),
            pl.BlockSpec((1, D), lambda i: (0, 0)),
        ],
        out_specs=pl.BlockSpec((br, D), lambda i: (i, 0)),
        out_shape=jax.ShapeDtypeStruct((N, D), jnp.float32),
    )(x, aggp.reshape(2, N, D), degp.reshape(2, N, DW), w_self, w_neigh,
      b.reshape(1, D))


def kernel(x, edge_index, W_self0, W_neigh0, b0, W_self1, W_neigh1, b1):
    src = edge_index[0].astype(jnp.int32)
    dst = edge_index[1].astype(jnp.int32)
    z2d = jnp.zeros((N, D), jnp.float32)
    z1d = jnp.zeros((N, DW), jnp.float32)
    ones = jnp.ones((K, DW), jnp.float32)

    aggp0, degp = _sc_agg_deg(x, src, dst, z2d, z1d, ones)
    h = _tc_layer(x, aggp0, degp, W_self0, W_neigh0, b0, relu=True)
    aggp1 = _sc_agg(h, src, dst, z2d)
    return _tc_layer(h, aggp1, degp, W_self1, W_neigh1, b1, relu=False)

# --- scband reference (transcript-rebuilt; emitter-appended) ---
"""Pipeline reference for scband-graph-sage-5772436045955 (READ-ONLY COPY).

The authoritative reference and input builder live on the scoring server;
editing this copy changes nothing except your own understanding.
"""

import jax, jax.numpy as jnp
import numpy as np

N_NODES = 10000
N_EDGES = 320000
D_IN = 128
D_HID = 128
D_OUT = 128


def setup_inputs(seed: int = 0) -> dict:
    key = jax.random.key(seed)
    k_x, k_e, k0s, k0n, k1s, k1n = jax.random.split(key, 6)
    x = jax.random.normal(k_x, (N_NODES, D_IN), dtype=jnp.float32)
    edge_index = jax.random.randint(k_e, (2, N_EDGES), 0, N_NODES, dtype=jnp.int64)
    s0 = 1.0 / np.sqrt(D_IN)
    s1 = 1.0 / np.sqrt(D_HID)
    W_self0 = jax.random.uniform(k0s, (D_IN, D_HID), dtype=jnp.float32, minval=-s0, maxval=s0)
    W_neigh0 = jax.random.uniform(k0n, (D_IN, D_HID), dtype=jnp.float32, minval=-s0, maxval=s0)
    b0 = jnp.zeros((D_HID,), dtype=jnp.float32)
    W_self1 = jax.random.uniform(k1s, (D_HID, D_OUT), dtype=jnp.float32, minval=-s1, maxval=s1)
    W_neigh1 = jax.random.uniform(k1n, (D_HID, D_OUT), dtype=jnp.float32, minval=-s1, maxval=s1)
    b1 = jnp.zeros((D_OUT,), dtype=jnp.float32)
    return {"x": x, "edge_index": edge_index,
            "W_self0": W_self0, "W_neigh0": W_neigh0, "b0": b0,
            "W_self1": W_self1, "W_neigh1": W_neigh1, "b1": b1}


def _sage_conv(x, edge_index, W_self, W_neigh, b):
    # DGL SAGEConv with 'mean' aggregator:
    # h_neigh = mean_{src in N(dst)} x[src]; out = x @ W_self + h_neigh @ W_neigh + b
    src = edge_index[0]
    dst = edge_index[1]
    msg = x[src]  # gather: [E, d]
    agg = jax.ops.segment_sum(msg, dst, num_segments=x.shape[0])  # scatter-add
    deg = jax.ops.segment_sum(jnp.ones((edge_index.shape[1],), dtype=x.dtype), dst,
                              num_segments=x.shape[0])
    h_neigh = agg / jnp.maximum(deg, 1.0)[:, None]
    return x @ W_self + h_neigh @ W_neigh + b


def reference(x, edge_index, W_self0, W_neigh0, b0, W_self1, W_neigh1, b1):
    # Layer 0 (+ activation; dropout is None so omitted)
    h = _sage_conv(x, edge_index, W_self0, W_neigh0, b0)
    h = jax.nn.relu(h)
    # Layer 1 (final layer, no activation)
    out = _sage_conv(h, edge_index, W_self1, W_neigh1, b1)
    return out

if __name__ == "__main__":
    import jax
    _d = setup_inputs()
    print(jax.jit(kernel)(*tuple(_d.values())))

</pallas_src>

<mosaic_0001>
#map = affine_map<(d0, d1) -> (0, 0)>
#map1 = affine_map<(d0, d1) -> (0)>
module attributes {stable_mosaic.version = 14 : i64} {
  func.func @_sc_body(%arg0: i32, %arg1: i32, %arg2: memref<10000x128xf32, #tpu.memory_space<hbm>>, %arg3: memref<320000xi32, #tpu.memory_space<hbm>>, %arg4: memref<320000xi32, #tpu.memory_space<hbm>>, %arg5: memref<10000x128xf32, #tpu.memory_space<hbm>>, %arg6: memref<10000x16xf32, #tpu.memory_space<hbm>>, %arg7: memref<128x16xf32, #tpu.memory_space<hbm>>, %arg8: memref<20000x128xf32, #tpu.memory_space<hbm>>, %arg9: memref<20000x16xf32, #tpu.memory_space<hbm>>, %arg10: memref<128xi32, #tpu.memory_space<vmem>>, %arg11: memref<128xi32, #tpu.memory_space<vmem>>, %arg12: memref<128x128xf32, #tpu.memory_space<vmem>>, %arg13: memref<128x16xf32, #tpu.memory_space<vmem>>, %arg14: memref<10000x128xf32, #tpu.memory_space<vmem_shared>>, %arg15: memref<10000x16xf32, #tpu.memory_space<vmem_shared>>) attributes {dimension_semantics = [#tpu.dimension_semantics<core_parallel>, #tpu.dimension_semantics<subcore_parallel>], iteration_bounds = array<i64: 2, 16>, scalar_prefetch = 0 : i64, scratch_operands = 6 : i64, tpu.core_type = #tpu.core_type<sc_vector_subcore>, window_params = [{transform_indices = #map}, {transform_indices = #map1}, {transform_indices = #map1}, {transform_indices = #map}, {transform_indices = #map}, {transform_indices = #map}, {transform_indices = #map}, {transform_indices = #map}]} {
    %mul3A = arith.constant 16 : i32
    %mul3A_0 = arith.muli %arg0, %mul3A : i32
    %add3A = arith.addi %mul3A_0, %arg1 : i32
    %mul3A_1 = arith.constant 624 : i32
    %mul3A_2 = arith.muli %arg1, %mul3A_1 : i32
    %mul3A_3 = arith.constant 624 : i32
    %mul3A_4 = arith.muli %arg1, %mul3A_3 : i32
    "tpu.region"() ({
      %run_scoped3A = tpu.sem_alloc : memref<!tpu.dma_semaphore, #tpu.memory_space<semaphore_mem>>
      %dma_start3A = arith.constant 0 : i32
      %dma_start3A_42 = tpu.memref_slice %arg14[%mul3A_4, %dma_start3A] : memref<10000x128xf32, #tpu.memory_space<vmem_shared>> -> memref<624x128xf32, #tpu.memory_space<vmem_shared>>
      %dma_start3A_43 = arith.constant 0 : i32
      %dma_start3A_44 = tpu.memref_slice %arg5[%mul3A_2, %dma_start3A_43] : memref<10000x128xf32, #tpu.memory_space<hbm>> -> memref<624x128xf32, #tpu.memory_space<hbm>>
      tpu.enqueue_dma source(%dma_start3A_44 : memref<624x128xf32, #tpu.memory_space<hbm>>) target(%dma_start3A_42 : memref<624x128xf32, #tpu.memory_space<vmem_shared>>) target_semaphore(%run_scoped3A : memref<!tpu.dma_semaphore, #tpu.memory_space<semaphore_mem>>)
      %dma_wait3A = arith.constant 0 : i32
      %dma_wait3A_45 = tpu.memref_slice %arg14[%mul3A_4, %dma_wait3A] : memref<10000x128xf32, #tpu.memory_space<vmem_shared>> -> memref<624x128xf32, #tpu.memory_space<vmem_shared>>
      %dma_wait3A_46 = arith.constant 0 : i32
      %dma_wait3A_47 = tpu.memref_slice %arg5[%mul3A_2, %dma_wait3A_46] : memref<10000x128xf32, #tpu.memory_space<hbm>> -> memref<624x128xf32, #tpu.memory_space<hbm>>
      tpu.wait_dma2 semaphore(%run_scoped3A : memref<!tpu.dma_semaphore, #tpu.memory_space<semaphore_mem>>) src(%dma_wait3A_47 : memref<624x128xf32, #tpu.memory_space<hbm>>) dst(%dma_wait3A_45 : memref<624x128xf32, #tpu.memory_space<vmem_shared>>)
      tpu.yield
    }) : () -> ()
    %mul3A_5 = arith.constant 624 : i32
    %mul3A_6 = arith.muli %arg1, %mul3A_5 : i32
    %mul3A_7 = arith.constant 624 : i32
    %mul3A_8 = arith.muli %arg1, %mul3A_7 : i32
    "tpu.region"() ({
      %run_scoped3A = tpu.sem_alloc : memref<!tpu.dma_semaphore, #tpu.memory_space<semaphore_mem>>
      %dma_start3A = arith.constant 0 : i32
      %dma_start3A_42 = tpu.memref_slice %arg15[%mul3A_8, %dma_start3A] : memref<10000x16xf32, #tpu.memory_space<vmem_shared>> -> memref<624x16xf32, #tpu.memory_space<vmem_shared>>
      %dma_start3A_43 = arith.constant 0 : i32
      %dma_start3A_44 = tpu.memref_slice %arg6[%mul3A_6, %dma_start3A_43] : memref<10000x16xf32, #tpu.memory_space<hbm>> -> memref<624x16xf32, #tpu.memory_space<hbm>>
      tpu.enqueue_dma source(%dma_start3A_44 : memref<624x16xf32, #tpu.memory_space<hbm>>) target(%dma_start3A_42 : memref<624x16xf32, #tpu.memory_space<vmem_shared>>) target_semaphore(%run_scoped3A : memref<!tpu.dma_semaphore, #tpu.memory_space<semaphore_mem>>)
      %dma_wait3A = arith.constant 0 : i32
      %dma_wait3A_45 = tpu.memref_slice %arg15[%mul3A_8, %dma_wait3A] : memref<10000x16xf32, #tpu.memory_space<vmem_shared>> -> memref<624x16xf32, #tpu.memory_space<vmem_shared>>
      %dma_wait3A_46 = arith.constant 0 : i32
      %dma_wait3A_47 = tpu.memref_slice %arg6[%mul3A_6, %dma_wait3A_46] : memref<10000x16xf32, #tpu.memory_space<hbm>> -> memref<624x16xf32, #tpu.memory_space<hbm>>
      tpu.wait_dma2 semaphore(%run_scoped3A : memref<!tpu.dma_semaphore, #tpu.memory_space<semaphore_mem>>) src(%dma_wait3A_47 : memref<624x16xf32, #tpu.memory_space<hbm>>) dst(%dma_wait3A_45 : memref<624x16xf32, #tpu.memory_space<vmem_shared>>)
      tpu.yield
    }) : () -> ()
    "tpu.region"() ({
      %run_scoped3A = tpu.sem_alloc : memref<!tpu.dma_semaphore, #tpu.memory_space<semaphore_mem>>
      tpu.enqueue_dma source(%arg7 : memref<128x16xf32, #tpu.memory_space<hbm>>) target(%arg13 : memref<128x16xf32, #tpu.memory_space<vmem>>) target_semaphore(%run_scoped3A : memref<!tpu.dma_semaphore, #tpu.memory_space<semaphore_mem>>)
      tpu.wait_dma2 semaphore(%run_scoped3A : memref<!tpu.dma_semaphore, #tpu.memory_space<semaphore_mem>>) src(%arg7 : memref<128x16xf32, #tpu.memory_space<hbm>>) dst(%arg13 : memref<128x16xf32, #tpu.memory_space<vmem>>)
      tpu.yield
    }) : () -> ()
    %eq3A = arith.constant 15 : i32
    %eq3A_9 = arith.cmpi eq, %arg1, %eq3A : i32
    %convert_element_type3A = arith.extui %eq3A_9 : i1 to i32
    %cond3A = arith.constant 0 : i32
    %cond3A_10 = arith.cmpi ne, %convert_element_type3A, %cond3A : i32
    scf.if %cond3A_10 {
      "tpu.region"() ({
        %run_scoped3A = tpu.sem_alloc : memref<!tpu.dma_semaphore, #tpu.memory_space<semaphore_mem>>
        %dma_start3A = arith.constant 9984 : i32
        %dma_start3A_42 = arith.constant 0 : i32
        %dma_start3A_43 = tpu.memref_slice %arg14[%dma_start3A, %dma_start3A_42] : memref<10000x128xf32, #tpu.memory_space<vmem_shared>> -> memref<16x128xf32, #tpu.memory_space<vmem_shared>>
        %dma_start3A_44 = arith.constant 9984 : i32
        %dma_start3A_45 = arith.constant 0 : i32
        %dma_start3A_46 = tpu.memref_slice %arg5[%dma_start3A_44, %dma_start3A_45] : memref<10000x128xf32, #tpu.memory_space<hbm>> -> memref<16x128xf32, #tpu.memory_space<hbm>>
        tpu.enqueue_dma source(%dma_start3A_46 : memref<16x128xf32, #tpu.memory_space<hbm>>) target(%dma_start3A_43 : memref<16x128xf32, #tpu.memory_space<vmem_shared>>) target_semaphore(%run_scoped3A : memref<!tpu.dma_semaphore, #tpu.memory_space<semaphore_mem>>)
        %dma_wait3A = arith.constant 9984 : i32
        %dma_wait3A_47 = arith.constant 0 : i32
        %dma_wait3A_48 = tpu.memref_slice %arg14[%dma_wait3A, %dma_wait3A_47] : memref<10000x128xf32, #tpu.memory_space<vmem_shared>> -> memref<16x128xf32, #tpu.memory_space<vmem_shared>>
        %dma_wait3A_49 = arith.constant 9984 : i32
        %dma_wait3A_50 = arith.constant 0 : i32
        %dma_wait3A_51 = tpu.memref_slice %arg5[%dma_wait3A_49, %dma_wait3A_50] : memref<10000x128xf32, #tpu.memory_space<hbm>> -> memref<16x128xf32, #tpu.memory_space<hbm>>
        tpu.wait_dma2 semaphore(%run_scoped3A : memref<!tpu.dma_semaphore, #tpu.memory_space<semaphore_mem>>) src(%dma_wait3A_51 : memref<16x128xf32, #tpu.memory_space<hbm>>) dst(%dma_wait3A_48 : memref<16x128xf32, #tpu.memory_space<vmem_shared>>)
        tpu.yield
      }) : () -> ()
      "tpu.region"() ({
        %run_scoped3A = tpu.sem_alloc : memref<!tpu.dma_semaphore, #tpu.memory_space<semaphore_mem>>
        %dma_start3A = arith.constant 9984 : i32
        %dma_start3A_42 = arith.constant 0 : i32
        %dma_start3A_43 = tpu.memref_slice %arg15[%dma_start3A, %dma_start3A_42] : memref<10000x16xf32, #tpu.memory_space<vmem_shared>> -> memref<16x16xf32, #tpu.memory_space<vmem_shared>>
        %dma_start3A_44 = arith.constant 9984 : i32
        %dma_start3A_45 = arith.constant 0 : i32
        %dma_start3A_46 = tpu.memref_slice %arg6[%dma_start3A_44, %dma_start3A_45] : memref<10000x16xf32, #tpu.memory_space<hbm>> -> memref<16x16xf32, #tpu.memory_space<hbm>>
        tpu.enqueue_dma source(%dma_start3A_46 : memref<16x16xf32, #tpu.memory_space<hbm>>) target(%dma_start3A_43 : memref<16x16xf32, #tpu.memory_space<vmem_shared>>) target_semaphore(%run_scoped3A : memref<!tpu.dma_semaphore, #tpu.memory_space<semaphore_mem>>)
        %dma_wait3A = arith.constant 9984 : i32
        %dma_wait3A_47 = arith.constant 0 : i32
        %dma_wait3A_48 = tpu.memref_slice %arg15[%dma_wait3A, %dma_wait3A_47] : memref<10000x16xf32, #tpu.memory_space<vmem_shared>> -> memref<16x16xf32, #tpu.memory_space<vmem_shared>>
        %dma_wait3A_49 = arith.constant 9984 : i32
        %dma_wait3A_50 = arith.constant 0 : i32
        %dma_wait3A_51 = tpu.memref_slice %arg6[%dma_wait3A_49, %dma_wait3A_50] : memref<10000x16xf32, #tpu.memory_space<hbm>> -> memref<16x16xf32, #tpu.memory_space<hbm>>
        tpu.wait_dma2 semaphore(%run_scoped3A : memref<!tpu.dma_semaphore, #tpu.memory_space<semaphore_mem>>) src(%dma_wait3A_51 : memref<16x16xf32, #tpu.memory_space<hbm>>) dst(%dma_wait3A_48 : memref<16x16xf32, #tpu.memory_space<vmem_shared>>)
        tpu.yield
      }) : () -> ()
    } else {
    }
    %barrier3A = arith.constant 0 : index
    tpu.barrier barrier_id(%barrier3A)
    %lt3A = arith.constant 4 : i32
    %lt3A_11 = arith.cmpi slt, %add3A, %lt3A : i32
    %jit3A = arith.constant 1 : i32
    %jit3A_12 = arith.constant 0 : i32
    %select_n3A = arith.select %lt3A_11, %jit3A, %jit3A_12 : i32
    %add3A_13 = arith.constant 78 : i32
    %add3A_14 = arith.addi %add3A_13, %select_n3A : i32
    %while3A = arith.constant 0 : i32
    %while3A_15 = arith.constant 0 : i32
    %while3A_16 = arith.subi %add3A_14, %while3A_15 : i32
    %while3A_17 = arith.addi %while3A_15, %while3A_16 : i32
    %while3A_18 = arith.constant 1 : i32
    %while3A_19 = arith.divsi %while3A_16, %while3A_18 : i32
    %while3A_20 = arith.muli %while3A_19, %while3A_18 : i32
    %while3A_21 = arith.addi %while3A_15, %while3A_20 : i32
    %while3A_22 = arith.constant 1 : i32
    scf.for %while3A_42 = %while3A_15 to %while3A_21 step %while3A_22  : i32 {
      %mul3A_43 = arith.constant 32 : i32
      %mul3A_44 = arith.muli %while3A_42, %mul3A_43 : i32
      %add3A_45 = arith.addi %mul3A_44, %add3A : i32
      %mul3A_46 = arith.constant 128 : i32
      %mul3A_47 = arith.muli %add3A_45, %mul3A_46 : i32
      "tpu.region"() ({
        %run_scoped3A = tpu.sem_alloc : memref<!tpu.dma_semaphore, #tpu.memory_space<semaphore_mem>>
        %dma_start3A = tpu.memref_slice %arg3[%mul3A_47] : memref<320000xi32, #tpu.memory_space<hbm>> -> memref<128xi32, #tpu.memory_space<hbm>>
        %dma_start3A_48 = tpu.memref_slice %arg3[%mul3A_47] : memref<320000xi32, #tpu.memory_space<hbm>> -> memref<128xi32, #tpu.memory_space<hbm>>
        tpu.enqueue_dma source(%dma_start3A_48 : memref<128xi32, #tpu.memory_space<hbm>>) target(%arg10 : memref<128xi32, #tpu.memory_space<vmem>>) target_semaphore(%run_scoped3A : memref<!tpu.dma_semaphore, #tpu.memory_space<semaphore_mem>>)
        %dma_wait3A = tpu.memref_slice %arg3[%mul3A_47] : memref<320000xi32, #tpu.memory_space<hbm>> -> memref<128xi32, #tpu.memory_space<hbm>>
        %dma_wait3A_49 = tpu.memref_slice %arg3[%mul3A_47] : memref<320000xi32, #tpu.memory_space<hbm>> -> memref<128xi32, #tpu.memory_space<hbm>>
        tpu.wait_dma2 semaphore(%run_scoped3A : memref<!tpu.dma_semaphore, #tpu.memory_space<semaphore_mem>>) src(%dma_wait3A_49 : memref<128xi32, #tpu.memory_space<hbm>>) dst(%arg10 : memref<128xi32, #tpu.memory_space<vmem>>)
        tpu.yield
      }) : () -> ()
      "tpu.region"() ({
        %run_scoped3A = tpu.sem_alloc : memref<!tpu.dma_semaphore, #tpu.memory_space<semaphore_mem>>
        %dma_start3A = tpu.memref_slice %arg4[%mul3A_47] : memref<320000xi32, #tpu.memory_space<hbm>> -> memref<128xi32, #tpu.memory_space<hbm>>
        %dma_start3A_48 = tpu.memref_slice %arg4[%mul3A_47] : memref<320000xi32, #tpu.memory_space<hbm>> -> memref<128xi32, #tpu.memory_space<hbm>>
        tpu.enqueue_dma source(%dma_start3A_48 : memref<128xi32, #tpu.memory_space<hbm>>) target(%arg11 : memref<128xi32, #tpu.memory_space<vmem>>) target_semaphore(%run_scoped3A : memref<!tpu.dma_semaphore, #tpu.memory_space<semaphore_mem>>)
        %dma_wait3A = tpu.memref_slice %arg4[%mul3A_47] : memref<320000xi32, #tpu.memory_space<hbm>> -> memref<128xi32, #tpu.memory_space<hbm>>
        %dma_wait3A_49 = tpu.memref_slice %arg4[%mul3A_47] : memref<320000xi32, #tpu.memory_space<hbm>> -> memref<128xi32, #tpu.memory_space<hbm>>
        tpu.wait_dma2 semaphore(%run_scoped3A : memref<!tpu.dma_semaphore, #tpu.memory_space<semaphore_mem>>) src(%dma_wait3A_49 : memref<128xi32, #tpu.memory_space<hbm>>) dst(%arg11 : memref<128xi32, #tpu.memory_space<vmem>>)
        tpu.yield
      }) : () -> ()
      "tpu.region"() ({
        %run_scoped3A = tpu.sem_alloc : memref<!tpu.dma_semaphore, #tpu.memory_space<semaphore_mem>>
        %dma_start3A = arith.constant 0 : i32
        %dma_start3A_48 = arith.constant 0 : i32
        %dma_start3A_49 = tpu.memref_slice %arg2[%dma_start3A, %dma_start3A_48] : memref<10000x128xf32, #tpu.memory_space<hbm>> -> memref<10000x128xf32, #tpu.memory_space<hbm>>
        tpu.enqueue_indirect_dma source(%dma_start3A_49 : memref<10000x128xf32, #tpu.memory_space<hbm>>) target(%arg12 : memref<128x128xf32, #tpu.memory_space<vmem>>) offsets(%arg10 : memref<128xi32, #tpu.memory_space<vmem>>) semaphore(%run_scoped3A : memref<!tpu.dma_semaphore, #tpu.memory_space<semaphore_mem>>)
        %dma_wait3A = arith.constant 0 : i32
        %dma_wait3A_50 = arith.constant 0 : i32
        %dma_wait3A_51 = tpu.memref_slice %arg2[%dma_wait3A, %dma_wait3A_50] : memref<10000x128xf32, #tpu.memory_space<hbm>> -> memref<10000x128xf32, #tpu.memory_space<hbm>>
        tpu.wait_indirect_dma semaphore(%run_scoped3A : memref<!tpu.dma_semaphore, #tpu.memory_space<semaphore_mem>>) src(%dma_wait3A_51 : memref<10000x128xf32, #tpu.memory_space<hbm>>) dst(%arg12 : memref<128x128xf32, #tpu.memory_space<vmem>>)
        tpu.yield
      }) : () -> ()
      "tpu.region"() ({
        %run_scoped3A = tpu.sem_alloc : memref<!tpu.dma_semaphore, #tpu.memory_space<semaphore_mem>>
        %dma_start3A = arith.constant 0 : i32
        %dma_start3A_48 = arith.constant 0 : i32
        %dma_start3A_49 = tpu.memref_slice %arg14[%dma_start3A, %dma_start3A_48] : memref<10000x128xf32, #tpu.memory_space<vmem_shared>> -> memref<10000x128xf32, #tpu.memory_space<vmem_shared>>
        tpu.enqueue_indirect_dma source(%arg12 : memref<128x128xf32, #tpu.memory_space<vmem>>) target(%dma_start3A_49 : memref<10000x128xf32, #tpu.memory_space<vmem_shared>>) offsets(%arg11 : memref<128xi32, #tpu.memory_space<vmem>>) semaphore(%run_scoped3A : memref<!tpu.dma_semaphore, #tpu.memory_space<semaphore_mem>>) {add = true}
        %dma_wait3A = arith.constant 0 : i32
        %dma_wait3A_50 = arith.constant 0 : i32
        %dma_wait3A_51 = tpu.memref_slice %arg14[%dma_wait3A, %dma_wait3A_50] : memref<10000x128xf32, #tpu.memory_space<vmem_shared>> -> memref<10000x128xf32, #tpu.memory_space<vmem_shared>>
        tpu.wait_indirect_dma semaphore(%run_scoped3A : memref<!tpu.dma_semaphore, #tpu.memory_space<semaphore_mem>>) src(%arg12 : memref<128x128xf32, #tpu.memory_space<vmem>>) dst(%dma_wait3A_51 : memref<10000x128xf32, #tpu.memory_space<vmem_shared>>)
        tpu.yield
      }) : () -> ()
      "tpu.region"() ({
        %run_scoped3A = tpu.sem_alloc : memref<!tpu.dma_semaphore, #tpu.memory_space<semaphore_mem>>
        %dma_start3A = arith.constant 0 : i32
        %dma_start3A_48 = arith.constant 0 : i32
        %dma_start3A_49 = tpu.memref_slice %arg15[%dma_start3A, %dma_start3A_48] : memref<10000x16xf32, #tpu.memory_space<vmem_shared>> -> memref<10000x16xf32, #tpu.memory_space<vmem_shared>>
        tpu.enqueue_indirect_dma source(%arg13 : memref<128x16xf32, #tpu.memory_space<vmem>>) target(%dma_start3A_49 : memref<10000x16xf32, #tpu.memory_space<vmem_shared>>) offsets(%arg11 : memref<128xi32, #tpu.memory_space<vmem>>) semaphore(%run_scoped3A : memref<!tpu.dma_semaphore, #tpu.memory_space<semaphore_mem>>) {add = true}
        %dma_wait3A = arith.constant 0 : i32
        %dma_wait3A_50 = arith.constant 0 : i32
        %dma_wait3A_51 = tpu.memref_slice %arg15[%dma_wait3A, %dma_wait3A_50] : memref<10000x16xf32, #tpu.memory_space<vmem_shared>> -> memref<10000x16xf32, #tpu.memory_space<vmem_shared>>
        tpu.wait_indirect_dma semaphore(%run_scoped3A : memref<!tpu.dma_semaphore, #tpu.memory_space<semaphore_mem>>) src(%arg13 : memref<128x16xf32, #tpu.memory_space<vmem>>) dst(%dma_wait3A_51 : memref<10000x16xf32, #tpu.memory_space<vmem_shared>>)
        tpu.yield
      }) : () -> ()
    }
    %while3A_23 = arith.constant 1 : i32
    scf.for %while3A_42 = %while3A_21 to %while3A_17 step %while3A_23  : i32 {
      %mul3A_43 = arith.constant 32 : i32
      %mul3A_44 = arith.muli %while3A_42, %mul3A_43 : i32
      %add3A_45 = arith.addi %mul3A_44, %add3A : i32
      %mul3A_46 = arith.constant 128 : i32
      %mul3A_47 = arith.muli %add3A_45, %mul3A_46 : i32
      "tpu.region"() ({
        %run_scoped3A = tpu.sem_alloc : memref<!tpu.dma_semaphore, #tpu.memory_space<semaphore_mem>>
        %dma_start3A = tpu.memref_slice %arg3[%mul3A_47] : memref<320000xi32, #tpu.memory_space<hbm>> -> memref<128xi32, #tpu.memory_space<hbm>>
        %dma_start3A_48 = tpu.memref_slice %arg3[%mul3A_47] : memref<320000xi32, #tpu.memory_space<hbm>> -> memref<128xi32, #tpu.memory_space<hbm>>
        tpu.enqueue_dma source(%dma_start3A_48 : memref<128xi32, #tpu.memory_space<hbm>>) target(%arg10 : memref<128xi32, #tpu.memory_space<vmem>>) target_semaphore(%run_scoped3A : memref<!tpu.dma_semaphore, #tpu.memory_space<semaphore_mem>>)
        %dma_wait3A = tpu.memref_slice %arg3[%mul3A_47] : memref<320000xi32, #tpu.memory_space<hbm>> -> memref<128xi32, #tpu.memory_space<hbm>>
        %dma_wait3A_49 = tpu.memref_slice %arg3[%mul3A_47] : memref<320000xi32, #tpu.memory_space<hbm>> -> memref<128xi32, #tpu.memory_space<hbm>>
        tpu.wait_dma2 semaphore(%run_scoped3A : memref<!tpu.dma_semaphore, #tpu.memory_space<semaphore_mem>>) src(%dma_wait3A_49 : memref<128xi32, #tpu.memory_space<hbm>>) dst(%arg10 : memref<128xi32, #tpu.memory_space<vmem>>)
        tpu.yield
      }) : () -> ()
      "tpu.region"() ({
        %run_scoped3A = tpu.sem_alloc : memref<!tpu.dma_semaphore, #tpu.memory_space<semaphore_mem>>
        %dma_start3A = tpu.memref_slice %arg4[%mul3A_47] : memref<320000xi32, #tpu.memory_space<hbm>> -> memref<128xi32, #tpu.memory_space<hbm>>
        %dma_start3A_48 = tpu.memref_slice %arg4[%mul3A_47] : memref<320000xi32, #tpu.memory_space<hbm>> -> memref<128xi32, #tpu.memory_space<hbm>>
        tpu.enqueue_dma source(%dma_start3A_48 : memref<128xi32, #tpu.memory_space<hbm>>) target(%arg11 : memref<128xi32, #tpu.memory_space<vmem>>) target_semaphore(%run_scoped3A : memref<!tpu.dma_semaphore, #tpu.memory_space<semaphore_mem>>)
        %dma_wait3A = tpu.memref_slice %arg4[%mul3A_47] : memref<320000xi32, #tpu.memory_space<hbm>> -> memref<128xi32, #tpu.memory_space<hbm>>
        %dma_wait3A_49 = tpu.memref_slice %arg4[%mul3A_47] : memref<320000xi32, #tpu.memory_space<hbm>> -> memref<128xi32, #tpu.memory_space<hbm>>
        tpu.wait_dma2 semaphore(%run_scoped3A : memref<!tpu.dma_semaphore, #tpu.memory_space<semaphore_mem>>) src(%dma_wait3A_49 : memref<128xi32, #tpu.memory_space<hbm>>) dst(%arg11 : memref<128xi32, #tpu.memory_space<vmem>>)
        tpu.yield
      }) : () -> ()
      "tpu.region"() ({
        %run_scoped3A = tpu.sem_alloc : memref<!tpu.dma_semaphore, #tpu.memory_space<semaphore_mem>>
        %dma_start3A = arith.constant 0 : i32
        %dma_start3A_48 = arith.constant 0 : i32
        %dma_start3A_49 = tpu.memref_slice %arg2[%dma_start3A, %dma_start3A_48] : memref<10000x128xf32, #tpu.memory_space<hbm>> -> memref<10000x128xf32, #tpu.memory_space<hbm>>
        tpu.enqueue_indirect_dma source(%dma_start3A_49 : memref<10000x128xf32, #tpu.memory_space<hbm>>) target(%arg12 : memref<128x128xf32, #tpu.memory_space<vmem>>) offsets(%arg10 : memref<128xi32, #tpu.memory_space<vmem>>) semaphore(%run_scoped3A : memref<!tpu.dma_semaphore, #tpu.memory_space<semaphore_mem>>)
        %dma_wait3A = arith.constant 0 : i32
        %dma_wait3A_50 = arith.constant 0 : i32
        %dma_wait3A_51 = tpu.memref_slice %arg2[%dma_wait3A, %dma_wait3A_50] : memref<10000x128xf32, #tpu.memory_space<hbm>> -> memref<10000x128xf32, #tpu.memory_space<hbm>>
        tpu.wait_indirect_dma semaphore(%run_scoped3A : memref<!tpu.dma_semaphore, #tpu.memory_space<semaphore_mem>>) src(%dma_wait3A_51 : memref<10000x128xf32, #tpu.memory_space<hbm>>) dst(%arg12 : memref<128x128xf32, #tpu.memory_space<vmem>>)
        tpu.yield
      }) : () -> ()
      "tpu.region"() ({
        %run_scoped3A = tpu.sem_alloc : memref<!tpu.dma_semaphore, #tpu.memory_space<semaphore_mem>>
        %dma_start3A = arith.constant 0 : i32
        %dma_start3A_48 = arith.constant 0 : i32
        %dma_start3A_49 = tpu.memref_slice %arg14[%dma_start3A, %dma_start3A_48] : memref<10000x128xf32, #tpu.memory_space<vmem_shared>> -> memref<10000x128xf32, #tpu.memory_space<vmem_shared>>
        tpu.enqueue_indirect_dma source(%arg12 : memref<128x128xf32, #tpu.memory_space<vmem>>) target(%dma_start3A_49 : memref<10000x128xf32, #tpu.memory_space<vmem_shared>>) offsets(%arg11 : memref<128xi32, #tpu.memory_space<vmem>>) semaphore(%run_scoped3A : memref<!tpu.dma_semaphore, #tpu.memory_space<semaphore_mem>>) {add = true}
        %dma_wait3A = arith.constant 0 : i32
        %dma_wait3A_50 = arith.constant 0 : i32
        %dma_wait3A_51 = tpu.memref_slice %arg14[%dma_wait3A, %dma_wait3A_50] : memref<10000x128xf32, #tpu.memory_space<vmem_shared>> -> memref<10000x128xf32, #tpu.memory_space<vmem_shared>>
        tpu.wait_indirect_dma semaphore(%run_scoped3A : memref<!tpu.dma_semaphore, #tpu.memory_space<semaphore_mem>>) src(%arg12 : memref<128x128xf32, #tpu.memory_space<vmem>>) dst(%dma_wait3A_51 : memref<10000x128xf32, #tpu.memory_space<vmem_shared>>)
        tpu.yield
      }) : () -> ()
      "tpu.region"() ({
        %run_scoped3A = tpu.sem_alloc : memref<!tpu.dma_semaphore, #tpu.memory_space<semaphore_mem>>
        %dma_start3A = arith.constant 0 : i32
        %dma_start3A_48 = arith.constant 0 : i32
        %dma_start3A_49 = tpu.memref_slice %arg15[%dma_start3A, %dma_start3A_48] : memref<10000x16xf32, #tpu.memory_space<vmem_shared>> -> memref<10000x16xf32, #tpu.memory_space<vmem_shared>>
        tpu.enqueue_indirect_dma source(%arg13 : memref<128x16xf32, #tpu.memory_space<vmem>>) target(%dma_start3A_49 : memref<10000x16xf32, #tpu.memory_space<vmem_shared>>) offsets(%arg11 : memref<128xi32, #tpu.memory_space<vmem>>) semaphore(%run_scoped3A : memref<!tpu.dma_semaphore, #tpu.memory_space<semaphore_mem>>) {add = true}
        %dma_wait3A = arith.constant 0 : i32
        %dma_wait3A_50 = arith.constant 0 : i32
        %dma_wait3A_51 = tpu.memref_slice %arg15[%dma_wait3A, %dma_wait3A_50] : memref<10000x16xf32, #tpu.memory_space<vmem_shared>> -> memref<10000x16xf32, #tpu.memory_space<vmem_shared>>
        tpu.wait_indirect_dma semaphore(%run_scoped3A : memref<!tpu.dma_semaphore, #tpu.memory_space<semaphore_mem>>) src(%arg13 : memref<128x16xf32, #tpu.memory_space<vmem>>) dst(%dma_wait3A_51 : memref<10000x16xf32, #tpu.memory_space<vmem_shared>>)
        tpu.yield
      }) : () -> ()
    }
    %barrier3A_24 = arith.constant 0 : index
    tpu.barrier barrier_id(%barrier3A_24)
    %mul3A_25 = arith.constant 624 : i32
    %mul3A_26 = arith.muli %arg1, %mul3A_25 : i32
    %mul3A_27 = arith.constant 10000 : i32
    %mul3A_28 = arith.muli %arg0, %mul3A_27 : i32
    %mul3A_29 = arith.constant 624 : i32
    %mul3A_30 = arith.muli %arg1, %mul3A_29 : i32
    %add3A_31 = arith.addi %mul3A_28, %mul3A_30 : i32
    "tpu.region"() ({
      %run_scoped3A = tpu.sem_alloc : memref<!tpu.dma_semaphore, #tpu.memory_space<semaphore_mem>>
      %dma_start3A = arith.constant 0 : i32
      %dma_start3A_42 = tpu.memref_slice %arg8[%add3A_31, %dma_start3A] : memref<20000x128xf32, #tpu.memory_space<hbm>> -> memref<624x128xf32, #tpu.memory_space<hbm>>
      %dma_start3A_43 = arith.constant 0 : i32
      %dma_start3A_44 = tpu.memref_slice %arg14[%mul3A_26, %dma_start3A_43] : memref<10000x128xf32, #tpu.memory_space<vmem_shared>> -> memref<624x128xf32, #tpu.memory_space<vmem_shared>>
      tpu.enqueue_dma source(%dma_start3A_44 : memref<624x128xf32, #tpu.memory_space<vmem_shared>>) target(%dma_start3A_42 : memref<624x128xf32, #tpu.memory_space<hbm>>) target_semaphore(%run_scoped3A : memref<!tpu.dma_semaphore, #tpu.memory_space<semaphore_mem>>)
      %dma_wait3A = arith.constant 0 : i32
      %dma_wait3A_45 = tpu.memref_slice %arg8[%add3A_31, %dma_wait3A] : memref<20000x128xf32, #tpu.memory_space<hbm>> -> memref<624x128xf32, #tpu.memory_space<hbm>>
      %dma_wait3A_46 = arith.constant 0 : i32
      %dma_wait3A_47 = tpu.memref_slice %arg14[%mul3A_26, %dma_wait3A_46] : memref<10000x128xf32, #tpu.memory_space<vmem_shared>> -> memref<624x128xf32, #tpu.memory_space<vmem_shared>>
      tpu.wait_dma2 semaphore(%run_scoped3A : memref<!tpu.dma_semaphore, #tpu.memory_space<semaphore_mem>>) src(%dma_wait3A_47 : memref<624x128xf32, #tpu.memory_space<vmem_shared>>) dst(%dma_wait3A_45 : memref<624x128xf32, #tpu.memory_space<hbm>>)
      tpu.yield
    }) : () -> ()
    %mul3A_32 = arith.constant 10000 : i32
    %mul3A_33 = arith.muli %arg0, %mul3A_32 : i32
    %mul3A_34 = arith.constant 624 : i32
    %mul3A_35 = arith.muli %arg1, %mul3A_34 : i32
    %add3A_36 = arith.addi %mul3A_33, %mul3A_35 : i32
    "tpu.region"() ({
      %run_scoped3A = tpu.sem_alloc : memref<!tpu.dma_semaphore, #tpu.memory_space<semaphore_mem>>
      %dma_start3A = arith.constant 0 : i32
      %dma_start3A_42 = tpu.memref_slice %arg9[%add3A_36, %dma_start3A] : memref<20000x16xf32, #tpu.memory_space<hbm>> -> memref<624x16xf32, #tpu.memory_space<hbm>>
      %dma_start3A_43 = arith.constant 0 : i32
      %dma_start3A_44 = tpu.memref_slice %arg15[%mul3A_26, %dma_start3A_43] : memref<10000x16xf32, #tpu.memory_space<vmem_shared>> -> memref<624x16xf32, #tpu.memory_space<vmem_shared>>
      tpu.enqueue_dma source(%dma_start3A_44 : memref<624x16xf32, #tpu.memory_space<vmem_shared>>) target(%dma_start3A_42 : memref<624x16xf32, #tpu.memory_space<hbm>>) target_semaphore(%run_scoped3A : memref<!tpu.dma_semaphore, #tpu.memory_space<semaphore_mem>>)
      %dma_wait3A = arith.constant 0 : i32
      %dma_wait3A_45 = tpu.memref_slice %arg9[%add3A_36, %dma_wait3A] : memref<20000x16xf32, #tpu.memory_space<hbm>> -> memref<624x16xf32, #tpu.memory_space<hbm>>
      %dma_wait3A_46 = arith.constant 0 : i32
      %dma_wait3A_47 = tpu.memref_slice %arg15[%mul3A_26, %dma_wait3A_46] : memref<10000x16xf32, #tpu.memory_space<vmem_shared>> -> memref<624x16xf32, #tpu.memory_space<vmem_shared>>
      tpu.wait_dma2 semaphore(%run_scoped3A : memref<!tpu.dma_semaphore, #tpu.memory_space<semaphore_mem>>) src(%dma_wait3A_47 : memref<624x16xf32, #tpu.memory_space<vmem_shared>>) dst(%dma_wait3A_45 : memref<624x16xf32, #tpu.memory_space<hbm>>)
      tpu.yield
    }) : () -> ()
    %eq3A_37 = arith.constant 15 : i32
    %eq3A_38 = arith.cmpi eq, %arg1, %eq3A_37 : i32
    %convert_element_type3A_39 = arith.extui %eq3A_38 : i1 to i32
    %cond3A_40 = arith.constant 0 : i32
    %cond3A_41 = arith.cmpi ne, %convert_element_type3A_39, %cond3A_40 : i32
    scf.if %cond3A_41 {
      %mul3A_42 = arith.constant 10000 : i32
      %mul3A_43 = arith.muli %arg0, %mul3A_42 : i32
      %add3A_44 = arith.constant 9984 : i32
      %add3A_45 = arith.addi %mul3A_43, %add3A_44 : i32
      "tpu.region"() ({
        %run_scoped3A = tpu.sem_alloc : memref<!tpu.dma_semaphore, #tpu.memory_space<semaphore_mem>>
        %dma_start3A = arith.constant 0 : i32
        %dma_start3A_46 = tpu.memref_slice %arg8[%add3A_45, %dma_start3A] : memref<20000x128xf32, #tpu.memory_space<hbm>> -> memref<16x128xf32, #tpu.memory_space<hbm>>
        %dma_start3A_47 = arith.constant 9984 : i32
        %dma_start3A_48 = arith.constant 0 : i32
        %dma_start3A_49 = tpu.memref_slice %arg14[%dma_start3A_47, %dma_start3A_48] : memref<10000x128xf32, #tpu.memory_space<vmem_shared>> -> memref<16x128xf32, #tpu.memory_space<vmem_shared>>
        tpu.enqueue_dma source(%dma_start3A_49 : memref<16x128xf32, #tpu.memory_space<vmem_shared>>) target(%dma_start3A_46 : memref<16x128xf32, #tpu.memory_space<hbm>>) target_semaphore(%run_scoped3A : memref<!tpu.dma_semaphore, #tpu.memory_space<semaphore_mem>>)
        %dma_wait3A = arith.constant 0 : i32
        %dma_wait3A_50 = tpu.memref_slice %arg8[%add3A_45, %dma_wait3A] : memref<20000x128xf32, #tpu.memory_space<hbm>> -> memref<16x128xf32, #tpu.memory_space<hbm>>
        %dma_wait3A_51 = arith.constant 9984 : i32
        %dma_wait3A_52 = arith.constant 0 : i32
        %dma_wait3A_53 = tpu.memref_slice %arg14[%dma_wait3A_51, %dma_wait3A_52] : memref<10000x128xf32, #tpu.memory_space<vmem_shared>> -> memref<16x128xf32, #tpu.memory_space<vmem_shared>>
        tpu.wait_dma2 semaphore(%run_scoped3A : memref<!tpu.dma_semaphore, #tpu.memory_space<semaphore_mem>>) src(%dma_wait3A_53 : memref<16x128xf32, #tpu.memory_space<vmem_shared>>) dst(%dma_wait3A_50 : memref<16x128xf32, #tpu.memory_space<hbm>>)
        tpu.yield
      }) : () -> ()
      "tpu.region"() ({
        %run_scoped3A = tpu.sem_alloc : memref<!tpu.dma_semaphore, #tpu.memory_space<semaphore_mem>>
        %dma_start3A = arith.constant 0 : i32
        %dma_start3A_46 = tpu.memref_slice %arg9[%add3A_45, %dma_start3A] : memref<20000x16xf32, #tpu.memory_space<hbm>> -> memref<16x16xf32, #tpu.memory_space<hbm>>
        %dma_start3A_47 = arith.constant 9984 : i32
        %dma_start3A_48 = arith.constant 0 : i32
        %dma_start3A_49 = tpu.memref_slice %arg15[%dma_start3A_47, %dma_start3A_48] : memref<10000x16xf32, #tpu.memory_space<vmem_shared>> -> memref<16x16xf32, #tpu.memory_space<vmem_shared>>
        tpu.enqueue_dma source(%dma_start3A_49 : memref<16x16xf32, #tpu.memory_space<vmem_shared>>) target(%dma_start3A_46 : memref<16x16xf32, #tpu.memory_space<hbm>>) target_semaphore(%run_scoped3A : memref<!tpu.dma_semaphore, #tpu.memory_space<semaphore_mem>>)
        %dma_wait3A = arith.constant 0 : i32
        %dma_wait3A_50 = tpu.memref_slice %arg9[%add3A_45, %dma_wait3A] : memref<20000x16xf32, #tpu.memory_space<hbm>> -> memref<16x16xf32, #tpu.memory_space<hbm>>
        %dma_wait3A_51 = arith.constant 9984 : i32
        %dma_wait3A_52 = arith.constant 0 : i32
        %dma_wait3A_53 = tpu.memref_slice %arg15[%dma_wait3A_51, %dma_wait3A_52] : memref<10000x16xf32, #tpu.memory_space<vmem_shared>> -> memref<16x16xf32, #tpu.memory_space<vmem_shared>>
        tpu.wait_dma2 semaphore(%run_scoped3A : memref<!tpu.dma_semaphore, #tpu.memory_space<semaphore_mem>>) src(%dma_wait3A_53 : memref<16x16xf32, #tpu.memory_space<vmem_shared>>) dst(%dma_wait3A_50 : memref<16x16xf32, #tpu.memory_space<hbm>>)
        tpu.yield
      }) : () -> ()
    } else {
    }
    return
  }
}

#map = affine_map<(d0, d1) -> (0, 0)>
#map1 = affine_map<(d0, d1) -> (0)>
module attributes {stable_mosaic.version = 14 : i64} {
  func.func @_sc_body(%arg0: i32, %arg1: i32, %arg2: memref<10000x128xf32, #tpu.memory_space<hbm>>, %arg3: memref<320000xi32, #tpu.memory_space<hbm>>, %arg4: memref<320000xi32, #tpu.memory_space<hbm>>, %arg5: memref<10000x128xf32, #tpu.memory_space<hbm>>, %arg6: memref<20000x128xf32, #tpu.memory_space<hbm>>, %arg7: memref<128xi32, #tpu.memory_space<vmem>>, %arg8: memref<128xi32, #tpu.memory_space<vmem>>, %arg9: memref<128x128xf32, #tpu.memory_space<vmem>>, %arg10: memref<10000x128xf32, #tpu.memory_space<vmem_shared>>) attributes {dimension_semantics = [#tpu.dimension_semantics<core_parallel>, #tpu.dimension_semantics<subcore_parallel>], iteration_bounds = array<i64: 2, 16>, scalar_prefetch = 0 : i64, scratch_operands = 4 : i64, tpu.core_type = #tpu.core_type<sc_vector_subcore>, window_params = [{transform_indices = #map}, {transform_indices = #map1}, {transform_indices = #map1}, {transform_indices = #map}, {transform_indices = #map}]} {
    %mul3A = arith.constant 16 : i32
    %mul3A_0 = arith.muli %arg0, %mul3A : i32
    %add3A = arith.addi %mul3A_0, %arg1 : i32
    %mul3A_1 = arith.constant 624 : i32
    %mul3A_2 = arith.muli %arg1, %mul3A_1 : i32
    %mul3A_3 = arith.constant 624 : i32
    %mul3A_4 = arith.muli %arg1, %mul3A_3 : i32
    "tpu.region"() ({
      %run_scoped3A = tpu.sem_alloc : memref<!tpu.dma_semaphore, #tpu.memory_space<semaphore_mem>>
      %dma_start3A = arith.constant 0 : i32
      %dma_start3A_33 = tpu.memref_slice %arg10[%mul3A_4, %dma_start3A] : memref<10000x128xf32, #tpu.memory_space<vmem_shared>> -> memref<624x128xf32, #tpu.memory_space<vmem_shared>>
      %dma_start3A_34 = arith.constant 0 : i32
      %dma_start3A_35 = tpu.memref_slice %arg5[%mul3A_2, %dma_start3A_34] : memref<10000x128xf32, #tpu.memory_space<hbm>> -> memref<624x128xf32, #tpu.memory_space<hbm>>
      tpu.enqueue_dma source(%dma_start3A_35 : memref<624x128xf32, #tpu.memory_space<hbm>>) target(%dma_start3A_33 : memref<624x128xf32, #tpu.memory_space<vmem_shared>>) target_semaphore(%run_scoped3A : memref<!tpu.dma_semaphore, #tpu.memory_space<semaphore_mem>>)
      %dma_wait3A = arith.constant 0 : i32
      %dma_wait3A_36 = tpu.memref_slice %arg10[%mul3A_4, %dma_wait3A] : memref<10000x128xf32, #tpu.memory_space<vmem_shared>> -> memref<624x128xf32, #tpu.memory_space<vmem_shared>>
      %dma_wait3A_37 = arith.constant 0 : i32
      %dma_wait3A_38 = tpu.memref_slice %arg5[%mul3A_2, %dma_wait3A_37] : memref<10000x128xf32, #tpu.memory_space<hbm>> -> memref<624x128xf32, #tpu.memory_space<hbm>>
      tpu.wait_dma2 semaphore(%run_scoped3A : memref<!tpu.dma_semaphore, #tpu.memory_space<semaphore_mem>>) src(%dma_wait3A_38 : memref<624x128xf32, #tpu.memory_space<hbm>>) dst(%dma_wait3A_36 : memref<624x128xf32, #tpu.memory_space<vmem_shared>>)
      tpu.yield
    }) : () -> ()
    %eq3A = arith.constant 15 : i32
    %eq3A_5 = arith.cmpi eq, %arg1, %eq3A : i32
    %convert_element_type3A = arith.extui %eq3A_5 : i1 to i32
    %cond3A = arith.constant 0 : i32
    %cond3A_6 = arith.cmpi ne, %convert_element_type3A, %cond3A : i32
    scf.if %cond3A_6 {
      "tpu.region"() ({
        %run_scoped3A = tpu.sem_alloc : memref<!tpu.dma_semaphore, #tpu.memory_space<semaphore_mem>>
        %dma_start3A = arith.constant 9984 : i32
        %dma_start3A_33 = arith.constant 0 : i32
        %dma_start3A_34 = tpu.memref_slice %arg10[%dma_start3A, %dma_start3A_33] : memref<10000x128xf32, #tpu.memory_space<vmem_shared>> -> memref<16x128xf32, #tpu.memory_space<vmem_shared>>
        %dma_start3A_35 = arith.constant 9984 : i32
        %dma_start3A_36 = arith.constant 0 : i32
        %dma_start3A_37 = tpu.memref_slice %arg5[%dma_start3A_35, %dma_start3A_36] : memref<10000x128xf32, #tpu.memory_space<hbm>> -> memref<16x128xf32, #tpu.memory_space<hbm>>
        tpu.enqueue_dma source(%dma_start3A_37 : memref<16x128xf32, #tpu.memory_space<hbm>>) target(%dma_start3A_34 : memref<16x128xf32, #tpu.memory_space<vmem_shared>>) target_semaphore(%run_scoped3A : memref<!tpu.dma_semaphore, #tpu.memory_space<semaphore_mem>>)
        %dma_wait3A = arith.constant 9984 : i32
        %dma_wait3A_38 = arith.constant 0 : i32
        %dma_wait3A_39 = tpu.memref_slice %arg10[%dma_wait3A, %dma_wait3A_38] : memref<10000x128xf32, #tpu.memory_space<vmem_shared>> -> memref<16x128xf32, #tpu.memory_space<vmem_shared>>
        %dma_wait3A_40 = arith.constant 9984 : i32
        %dma_wait3A_41 = arith.constant 0 : i32
        %dma_wait3A_42 = tpu.memref_slice %arg5[%dma_wait3A_40, %dma_wait3A_41] : memref<10000x128xf32, #tpu.memory_space<hbm>> -> memref<16x128xf32, #tpu.memory_space<hbm>>
        tpu.wait_dma2 semaphore(%run_scoped3A : memref<!tpu.dma_semaphore, #tpu.memory_space<semaphore_mem>>) src(%dma_wait3A_42 : memref<16x128xf32, #tpu.memory_space<hbm>>) dst(%dma_wait3A_39 : memref<16x128xf32, #tpu.memory_space<vmem_shared>>)
        tpu.yield
      }) : () -> ()
    } else {
    }
    %barrier3A = arith.constant 0 : index
    tpu.barrier barrier_id(%barrier3A)
    %lt3A = arith.constant 4 : i32
    %lt3A_7 = arith.cmpi slt, %add3A, %lt3A : i32
    %jit3A = arith.constant 1 : i32
    %jit3A_8 = arith.constant 0 : i32
    %select_n3A = arith.select %lt3A_7, %jit3A, %jit3A_8 : i32
    %add3A_9 = arith.constant 78 : i32
    %add3A_10 = arith.addi %add3A_9, %select_n3A : i32
    %while3A = arith.constant 0 : i32
    %while3A_11 = arith.constant 0 : i32
    %while3A_12 = arith.subi %add3A_10, %while3A_11 : i32
    %while3A_13 = arith.addi %while3A_11, %while3A_12 : i32
    %while3A_14 = arith.constant 1 : i32
    %while3A_15 = arith.divsi %while3A_12, %while3A_14 : i32
    %while3A_16 = arith.muli %while3A_15, %while3A_14 : i32
    %while3A_17 = arith.addi %while3A_11, %while3A_16 : i32
    %while3A_18 = arith.constant 1 : i32
    scf.for %while3A_33 = %while3A_11 to %while3A_17 step %while3A_18  : i32 {
      %mul3A_34 = arith.constant 32 : i32
      %mul3A_35 = arith.muli %while3A_33, %mul3A_34 : i32
      %add3A_36 = arith.addi %mul3A_35, %add3A : i32
      %mul3A_37 = arith.constant 128 : i32
      %mul3A_38 = arith.muli %add3A_36, %mul3A_37 : i32
      "tpu.region"() ({
        %run_scoped3A = tpu.sem_alloc : memref<!tpu.dma_semaphore, #tpu.memory_space<semaphore_mem>>
        %dma_start3A = tpu.memref_slice %arg3[%mul3A_38] : memref<320000xi32, #tpu.memory_space<hbm>> -> memref<128xi32, #tpu.memory_space<hbm>>
        %dma_start3A_39 = tpu.memref_slice %arg3[%mul3A_38] : memref<320000xi32, #tpu.memory_space<hbm>> -> memref<128xi32, #tpu.memory_space<hbm>>
        tpu.enqueue_dma source(%dma_start3A_39 : memref<128xi32, #tpu.memory_space<hbm>>) target(%arg7 : memref<128xi32, #tpu.memory_space<vmem>>) target_semaphore(%run_scoped3A : memref<!tpu.dma_semaphore, #tpu.memory_space<semaphore_mem>>)
        %dma_wait3A = tpu.memref_slice %arg3[%mul3A_38] : memref<320000xi32, #tpu.memory_space<hbm>> -> memref<128xi32, #tpu.memory_space<hbm>>
        %dma_wait3A_40 = tpu.memref_slice %arg3[%mul3A_38] : memref<320000xi32, #tpu.memory_space<hbm>> -> memref<128xi32, #tpu.memory_space<hbm>>
        tpu.wait_dma2 semaphore(%run_scoped3A : memref<!tpu.dma_semaphore, #tpu.memory_space<semaphore_mem>>) src(%dma_wait3A_40 : memref<128xi32, #tpu.memory_space<hbm>>) dst(%arg7 : memref<128xi32, #tpu.memory_space<vmem>>)
        tpu.yield
      }) : () -> ()
      "tpu.region"() ({
        %run_scoped3A = tpu.sem_alloc : memref<!tpu.dma_semaphore, #tpu.memory_space<semaphore_mem>>
        %dma_start3A = tpu.memref_slice %arg4[%mul3A_38] : memref<320000xi32, #tpu.memory_space<hbm>> -> memref<128xi32, #tpu.memory_space<hbm>>
        %dma_start3A_39 = tpu.memref_slice %arg4[%mul3A_38] : memref<320000xi32, #tpu.memory_space<hbm>> -> memref<128xi32, #tpu.memory_space<hbm>>
        tpu.enqueue_dma source(%dma_start3A_39 : memref<128xi32, #tpu.memory_space<hbm>>) target(%arg8 : memref<128xi32, #tpu.memory_space<vmem>>) target_semaphore(%run_scoped3A : memref<!tpu.dma_semaphore, #tpu.memory_space<semaphore_mem>>)
        %dma_wait3A = tpu.memref_slice %arg4[%mul3A_38] : memref<320000xi32, #tpu.memory_space<hbm>> -> memref<128xi32, #tpu.memory_space<hbm>>
        %dma_wait3A_40 = tpu.memref_slice %arg4[%mul3A_38] : memref<320000xi32, #tpu.memory_space<hbm>> -> memref<128xi32, #tpu.memory_space<hbm>>
        tpu.wait_dma2 semaphore(%run_scoped3A : memref<!tpu.dma_semaphore, #tpu.memory_space<semaphore_mem>>) src(%dma_wait3A_40 : memref<128xi32, #tpu.memory_space<hbm>>) dst(%arg8 : memref<128xi32, #tpu.memory_space<vmem>>)
        tpu.yield
      }) : () -> ()
      "tpu.region"() ({
        %run_scoped3A = tpu.sem_alloc : memref<!tpu.dma_semaphore, #tpu.memory_space<semaphore_mem>>
        %dma_start3A = arith.constant 0 : i32
        %dma_start3A_39 = arith.constant 0 : i32
        %dma_start3A_40 = tpu.memref_slice %arg2[%dma_start3A, %dma_start3A_39] : memref<10000x128xf32, #tpu.memory_space<hbm>> -> memref<10000x128xf32, #tpu.memory_space<hbm>>
        tpu.enqueue_indirect_dma source(%dma_start3A_40 : memref<10000x128xf32, #tpu.memory_space<hbm>>) target(%arg9 : memref<128x128xf32, #tpu.memory_space<vmem>>) offsets(%arg7 : memref<128xi32, #tpu.memory_space<vmem>>) semaphore(%run_scoped3A : memref<!tpu.dma_semaphore, #tpu.memory_space<semaphore_mem>>)
        %dma_wait3A = arith.constant 0 : i32
        %dma_wait3A_41 = arith.constant 0 : i32
        %dma_wait3A_42 = tpu.memref_slice %arg2[%dma_wait3A, %dma_wait3A_41] : memref<10000x128xf32, #tpu.memory_space<hbm>> -> memref<10000x128xf32, #tpu.memory_space<hbm>>
        tpu.wait_indirect_dma semaphore(%run_scoped3A : memref<!tpu.dma_semaphore, #tpu.memory_space<semaphore_mem>>) src(%dma_wait3A_42 : memref<10000x128xf32, #tpu.memory_space<hbm>>) dst(%arg9 : memref<128x128xf32, #tpu.memory_space<vmem>>)
        tpu.yield
      }) : () -> ()
      "tpu.region"() ({
        %run_scoped3A = tpu.sem_alloc : memref<!tpu.dma_semaphore, #tpu.memory_space<semaphore_mem>>
        %dma_start3A = arith.constant 0 : i32
        %dma_start3A_39 = arith.constant 0 : i32
        %dma_start3A_40 = tpu.memref_slice %arg10[%dma_start3A, %dma_start3A_39] : memref<10000x128xf32, #tpu.memory_space<vmem_shared>> -> memref<10000x128xf32, #tpu.memory_space<vmem_shared>>
        tpu.enqueue_indirect_dma source(%arg9 : memref<128x128xf32, #tpu.memory_space<vmem>>) target(%dma_start3A_40 : memref<10000x128xf32, #tpu.memory_space<vmem_shared>>) offsets(%arg8 : memref<128xi32, #tpu.memory_space<vmem>>) semaphore(%run_scoped3A : memref<!tpu.dma_semaphore, #tpu.memory_space<semaphore_mem>>) {add = true}
        %dma_wait3A = arith.constant 0 : i32
        %dma_wait3A_41 = arith.constant 0 : i32
        %dma_wait3A_42 = tpu.memref_slice %arg10[%dma_wait3A, %dma_wait3A_41] : memref<10000x128xf32, #tpu.memory_space<vmem_shared>> -> memref<10000x128xf32, #tpu.memory_space<vmem_shared>>
        tpu.wait_indirect_dma semaphore(%run_scoped3A : memref<!tpu.dma_semaphore, #tpu.memory_space<semaphore_mem>>) src(%arg9 : memref<128x128xf32, #tpu.memory_space<vmem>>) dst(%dma_wait3A_42 : memref<10000x128xf32, #tpu.memory_space<vmem_shared>>)
        tpu.yield
      }) : () -> ()
    }
    %while3A_19 = arith.constant 1 : i32
    scf.for %while3A_33 = %while3A_17 to %while3A_13 step %while3A_19  : i32 {
      %mul3A_34 = arith.constant 32 : i32
      %mul3A_35 = arith.muli %while3A_33, %mul3A_34 : i32
      %add3A_36 = arith.addi %mul3A_35, %add3A : i32
      %mul3A_37 = arith.constant 128 : i32
      %mul3A_38 = arith.muli %add3A_36, %mul3A_37 : i32
      "tpu.region"() ({
        %run_scoped3A = tpu.sem_alloc : memref<!tpu.dma_semaphore, #tpu.memory_space<semaphore_mem>>
        %dma_start3A = tpu.memref_slice %arg3[%mul3A_38] : memref<320000xi32, #tpu.memory_space<hbm>> -> memref<128xi32, #tpu.memory_space<hbm>>
        %dma_start3A_39 = tpu.memref_slice %arg3[%mul3A_38] : memref<320000xi32, #tpu.memory_space<hbm>> -> memref<128xi32, #tpu.memory_space<hbm>>
        tpu.enqueue_dma source(%dma_start3A_39 : memref<128xi32, #tpu.memory_space<hbm>>) target(%arg7 : memref<128xi32, #tpu.memory_space<vmem>>) target_semaphore(%run_scoped3A : memref<!tpu.dma_semaphore, #tpu.memory_space<semaphore_mem>>)
        %dma_wait3A = tpu.memref_slice %arg3[%mul3A_38] : memref<320000xi32, #tpu.memory_space<hbm>> -> memref<128xi32, #tpu.memory_space<hbm>>
        %dma_wait3A_40 = tpu.memref_slice %arg3[%mul3A_38] : memref<320000xi32, #tpu.memory_space<hbm>> -> memref<128xi32, #tpu.memory_space<hbm>>
        tpu.wait_dma2 semaphore(%run_scoped3A : memref<!tpu.dma_semaphore, #tpu.memory_space<semaphore_mem>>) src(%dma_wait3A_40 : memref<128xi32, #tpu.memory_space<hbm>>) dst(%arg7 : memref<128xi32, #tpu.memory_space<vmem>>)
        tpu.yield
      }) : () -> ()
      "tpu.region"() ({
        %run_scoped3A = tpu.sem_alloc : memref<!tpu.dma_semaphore, #tpu.memory_space<semaphore_mem>>
        %dma_start3A = tpu.memref_slice %arg4[%mul3A_38] : memref<320000xi32, #tpu.memory_space<hbm>> -> memref<128xi32, #tpu.memory_space<hbm>>
        %dma_start3A_39 = tpu.memref_slice %arg4[%mul3A_38] : memref<320000xi32, #tpu.memory_space<hbm>> -> memref<128xi32, #tpu.memory_space<hbm>>
        tpu.enqueue_dma source(%dma_start3A_39 : memref<128xi32, #tpu.memory_space<hbm>>) target(%arg8 : memref<128xi32, #tpu.memory_space<vmem>>) target_semaphore(%run_scoped3A : memref<!tpu.dma_semaphore, #tpu.memory_space<semaphore_mem>>)
        %dma_wait3A = tpu.memref_slice %arg4[%mul3A_38] : memref<320000xi32, #tpu.memory_space<hbm>> -> memref<128xi32, #tpu.memory_space<hbm>>
        %dma_wait3A_40 = tpu.memref_slice %arg4[%mul3A_38] : memref<320000xi32, #tpu.memory_space<hbm>> -> memref<128xi32, #tpu.memory_space<hbm>>
        tpu.wait_dma2 semaphore(%run_scoped3A : memref<!tpu.dma_semaphore, #tpu.memory_space<semaphore_mem>>) src(%dma_wait3A_40 : memref<128xi32, #tpu.memory_space<hbm>>) dst(%arg8 : memref<128xi32, #tpu.memory_space<vmem>>)
        tpu.yield
      }) : () -> ()
      "tpu.region"() ({
        %run_scoped3A = tpu.sem_alloc : memref<!tpu.dma_semaphore, #tpu.memory_space<semaphore_mem>>
        %dma_start3A = arith.constant 0 : i32
        %dma_start3A_39 = arith.constant 0 : i32
        %dma_start3A_40 = tpu.memref_slice %arg2[%dma_start3A, %dma_start3A_39] : memref<10000x128xf32, #tpu.memory_space<hbm>> -> memref<10000x128xf32, #tpu.memory_space<hbm>>
        tpu.enqueue_indirect_dma source(%dma_start3A_40 : memref<10000x128xf32, #tpu.memory_space<hbm>>) target(%arg9 : memref<128x128xf32, #tpu.memory_space<vmem>>) offsets(%arg7 : memref<128xi32, #tpu.memory_space<vmem>>) semaphore(%run_scoped3A : memref<!tpu.dma_semaphore, #tpu.memory_space<semaphore_mem>>)
        %dma_wait3A = arith.constant 0 : i32
        %dma_wait3A_41 = arith.constant 0 : i32
        %dma_wait3A_42 = tpu.memref_slice %arg2[%dma_wait3A, %dma_wait3A_41] : memref<10000x128xf32, #tpu.memory_space<hbm>> -> memref<10000x128xf32, #tpu.memory_space<hbm>>
        tpu.wait_indirect_dma semaphore(%run_scoped3A : memref<!tpu.dma_semaphore, #tpu.memory_space<semaphore_mem>>) src(%dma_wait3A_42 : memref<10000x128xf32, #tpu.memory_space<hbm>>) dst(%arg9 : memref<128x128xf32, #tpu.memory_space<vmem>>)
        tpu.yield
      }) : () -> ()
      "tpu.region"() ({
        %run_scoped3A = tpu.sem_alloc : memref<!tpu.dma_semaphore, #tpu.memory_space<semaphore_mem>>
        %dma_start3A = arith.constant 0 : i32
        %dma_start3A_39 = arith.constant 0 : i32
        %dma_start3A_40 = tpu.memref_slice %arg10[%dma_start3A, %dma_start3A_39] : memref<10000x128xf32, #tpu.memory_space<vmem_shared>> -> memref<10000x128xf32, #tpu.memory_space<vmem_shared>>
        tpu.enqueue_indirect_dma source(%arg9 : memref<128x128xf32, #tpu.memory_space<vmem>>) target(%dma_start3A_40 : memref<10000x128xf32, #tpu.memory_space<vmem_shared>>) offsets(%arg8 : memref<128xi32, #tpu.memory_space<vmem>>) semaphore(%run_scoped3A : memref<!tpu.dma_semaphore, #tpu.memory_space<semaphore_mem>>) {add = true}
        %dma_wait3A = arith.constant 0 : i32
        %dma_wait3A_41 = arith.constant 0 : i32
        %dma_wait3A_42 = tpu.memref_slice %arg10[%dma_wait3A, %dma_wait3A_41] : memref<10000x128xf32, #tpu.memory_space<vmem_shared>> -> memref<10000x128xf32, #tpu.memory_space<vmem_shared>>
        tpu.wait_indirect_dma semaphore(%run_scoped3A : memref<!tpu.dma_semaphore, #tpu.memory_space<semaphore_mem>>) src(%arg9 : memref<128x128xf32, #tpu.memory_space<vmem>>) dst(%dma_wait3A_42 : memref<10000x128xf32, #tpu.memory_space<vmem_shared>>)
        tpu.yield
      }) : () -> ()
    }
    %barrier3A_20 = arith.constant 0 : index
    tpu.barrier barrier_id(%barrier3A_20)
    %mul3A_21 = arith.constant 624 : i32
    %mul3A_22 = arith.muli %arg1, %mul3A_21 : i32
    %mul3A_23 = arith.constant 10000 : i32
    %mul3A_24 = arith.muli %arg0, %mul3A_23 : i32
    %mul3A_25 = arith.constant 624 : i32
    %mul3A_26 = arith.muli %arg1, %mul3A_25 : i32
    %add3A_27 = arith.addi %mul3A_24, %mul3A_26 : i32
    "tpu.region"() ({
      %run_scoped3A = tpu.sem_alloc : memref<!tpu.dma_semaphore, #tpu.memory_space<semaphore_mem>>
      %dma_start3A = arith.constant 0 : i32
      %dma_start3A_33 = tpu.memref_slice %arg6[%add3A_27, %dma_start3A] : memref<20000x128xf32, #tpu.memory_space<hbm>> -> memref<624x128xf32, #tpu.memory_space<hbm>>
      %dma_start3A_34 = arith.constant 0 : i32
      %dma_start3A_35 = tpu.memref_slice %arg10[%mul3A_22, %dma_start3A_34] : memref<10000x128xf32, #tpu.memory_space<vmem_shared>> -> memref<624x128xf32, #tpu.memory_space<vmem_shared>>
      tpu.enqueue_dma source(%dma_start3A_35 : memref<624x128xf32, #tpu.memory_space<vmem_shared>>) target(%dma_start3A_33 : memref<624x128xf32, #tpu.memory_space<hbm>>) target_semaphore(%run_scoped3A : memref<!tpu.dma_semaphore, #tpu.memory_space<semaphore_mem>>)
      %dma_wait3A = arith.constant 0 : i32
      %dma_wait3A_36 = tpu.memref_slice %arg6[%add3A_27, %dma_wait3A] : memref<20000x128xf32, #tpu.memory_space<hbm>> -> memref<624x128xf32, #tpu.memory_space<hbm>>
      %dma_wait3A_37 = arith.constant 0 : i32
      %dma_wait3A_38 = tpu.memref_slice %arg10[%mul3A_22, %dma_wait3A_37] : memref<10000x128xf32, #tpu.memory_space<vmem_shared>> -> memref<624x128xf32, #tpu.memory_space<vmem_shared>>
      tpu.wait_dma2 semaphore(%run_scoped3A : memref<!tpu.dma_semaphore, #tpu.memory_space<semaphore_mem>>) src(%dma_wait3A_38 : memref<624x128xf32, #tpu.memory_space<vmem_shared>>) dst(%dma_wait3A_36 : memref<624x128xf32, #tpu.memory_space<hbm>>)
      tpu.yield
    }) : () -> ()
    %eq3A_28 = arith.constant 15 : i32
    %eq3A_29 = arith.cmpi eq, %arg1, %eq3A_28 : i32
    %convert_element_type3A_30 = arith.extui %eq3A_29 : i1 to i32
    %cond3A_31 = arith.constant 0 : i32
    %cond3A_32 = arith.cmpi ne, %convert_element_type3A_30, %cond3A_31 : i32
    scf.if %cond3A_32 {
      %mul3A_33 = arith.constant 10000 : i32
      %mul3A_34 = arith.muli %arg0, %mul3A_33 : i32
      %add3A_35 = arith.constant 9984 : i32
      %add3A_36 = arith.addi %mul3A_34, %add3A_35 : i32
      "tpu.region"() ({
        %run_scoped3A = tpu.sem_alloc : memref<!tpu.dma_semaphore, #tpu.memory_space<semaphore_mem>>
        %dma_start3A = arith.constant 0 : i32
        %dma_start3A_37 = tpu.memref_slice %arg6[%add3A_36, %dma_start3A] : memref<20000x128xf32, #tpu.memory_space<hbm>> -> memref<16x128xf32, #tpu.memory_space<hbm>>
        %dma_start3A_38 = arith.constant 9984 : i32
        %dma_start3A_39 = arith.constant 0 : i32
        %dma_start3A_40 = tpu.memref_slice %arg10[%dma_start3A_38, %dma_start3A_39] : memref<10000x128xf32, #tpu.memory_space<vmem_shared>> -> memref<16x128xf32, #tpu.memory_space<vmem_shared>>
        tpu.enqueue_dma source(%dma_start3A_40 : memref<16x128xf32, #tpu.memory_space<vmem_shared>>) target(%dma_start3A_37 : memref<16x128xf32, #tpu.memory_space<hbm>>) target_semaphore(%run_scoped3A : memref<!tpu.dma_semaphore, #tpu.memory_space<semaphore_mem>>)
        %dma_wait3A = arith.constant 0 : i32
        %dma_wait3A_41 = tpu.memref_slice %arg6[%add3A_36, %dma_wait3A] : memref<20000x128xf32, #tpu.memory_space<hbm>> -> memref<16x128xf32, #tpu.memory_space<hbm>>
        %dma_wait3A_42 = arith.constant 9984 : i32
        %dma_wait3A_43 = arith.constant 0 : i32
        %dma_wait3A_44 = tpu.memref_slice %arg10[%dma_wait3A_42, %dma_wait3A_43] : memref<10000x128xf32, #tpu.memory_space<vmem_shared>> -> memref<16x128xf32, #tpu.memory_space<vmem_shared>>
        tpu.wait_dma2 semaphore(%run_scoped3A : memref<!tpu.dma_semaphore, #tpu.memory_space<semaphore_mem>>) src(%dma_wait3A_44 : memref<16x128xf32, #tpu.memory_space<vmem_shared>>) dst(%dma_wait3A_41 : memref<16x128xf32, #tpu.memory_space<hbm>>)
        tpu.yield
      }) : () -> ()
    } else {
    }
    return
  }
}

module attributes {stable_mosaic.version = 14 : i64} {
  func.func @body(%arg0: i32, %arg1: memref<1000x128xf32, #tpu.memory_space<vmem>>, %arg2: memref<2x1000x128xf32, #tpu.memory_space<vmem>>, %arg3: memref<2x1000x16xf32, #tpu.memory_space<vmem>>, %arg4: memref<128x128xf32, #tpu.memory_space<vmem>>, %arg5: memref<128x128xf32, #tpu.memory_space<vmem>>, %arg6: memref<1x128xf32, #tpu.memory_space<vmem>>, %arg7: memref<1000x128xf32, #tpu.memory_space<vmem>>) attributes {dimension_semantics = [#tpu.dimension_semantics<arbitrary>], iteration_bounds = array<i64: 10>, scalar_prefetch = 0 : i64, scratch_operands = 0 : i64, tpu.core_type = #tpu.core_type<tc>, window_params = [{transform_indices = @transform_0, window_bounds = array<i64: 1000, 128>}, {transform_indices = @transform_1, window_bounds = array<i64: 2, 1000, 128>}, {transform_indices = @transform_2, window_bounds = array<i64: 2, 1000, 16>}, {pipeline_mode = #tpu.pipeline_mode<synchronous>, transform_indices = @transform_3, window_bounds = array<i64: 128, 128>}, {pipeline_mode = #tpu.pipeline_mode<synchronous>, transform_indices = @transform_4, window_bounds = array<i64: 128, 128>}, {pipeline_mode = #tpu.pipeline_mode<synchronous>, transform_indices = @transform_5, window_bounds = array<i64: 1, 128>}, {transform_indices = @transform_6, window_bounds = array<i64: 1000, 128>}]} {
    %get3A = arith.constant 0 : index
    %get3A_0 = arith.constant 0 : index
    %get3A_1 = arith.constant 0 : index
    %get3A_2 = vector.load %arg2[%get3A, %get3A_0, %get3A_1] : memref<2x1000x128xf32, #tpu.memory_space<vmem>>, vector<1x1000x128xf32>
    %get3A_3 = vector.shape_cast %get3A_2 : vector<1x1000x128xf32> to vector<1000x128xf32>
    %get3A_4 = arith.constant 1 : index
    %get3A_5 = arith.constant 0 : index
    %get3A_6 = arith.constant 0 : index
    %get3A_7 = vector.load %arg2[%get3A_4, %get3A_5, %get3A_6] : memref<2x1000x128xf32, #tpu.memory_space<vmem>>, vector<1x1000x128xf32>
    %get3A_8 = vector.shape_cast %get3A_7 : vector<1x1000x128xf32> to vector<1000x128xf32>
    %add3A = arith.addf %get3A_3, %get3A_8 : vector<1000x128xf32>
    %get3A_9 = arith.constant 0 : index
    %get3A_10 = arith.constant 0 : index
    %get3A_11 = arith.constant 0 : index
    %get3A_12 = vector.load %arg3[%get3A_9, %get3A_10, %get3A_11] : memref<2x1000x16xf32, #tpu.memory_space<vmem>>, vector<1x1000x1xf32>
    %get3A_13 = vector.shape_cast %get3A_12 : vector<1x1000x1xf32> to vector<1000x1xf32>
    %get3A_14 = arith.constant 1 : index
    %get3A_15 = arith.constant 0 : index
    %get3A_16 = arith.constant 0 : index
    %get3A_17 = vector.load %arg3[%get3A_14, %get3A_15, %get3A_16] : memref<2x1000x16xf32, #tpu.memory_space<vmem>>, vector<1x1000x1xf32>
    %get3A_18 = vector.shape_cast %get3A_17 : vector<1x1000x1xf32> to vector<1000x1xf32>
    %add3A_19 = arith.addf %get3A_13, %get3A_18 : vector<1000x1xf32>
    %max3A = arith.constant 1.000000e+00 : f32
    %max3A_20 = vector.broadcast %max3A : f32 to vector<1000x1xf32>
    %max3A_21 = arith.maximumf %add3A_19, %max3A_20 : vector<1000x1xf32>
    %div3A = vector.broadcast %max3A_21 : vector<1000x1xf32> to vector<1000x128xf32>
    %div3A_22 = arith.divf %add3A, %div3A : vector<1000x128xf32>
    %get3A_23 = arith.constant 0 : index
    %get3A_24 = arith.constant 0 : index
    %get3A_25 = vector.load %arg1[%get3A_23, %get3A_24] : memref<1000x128xf32, #tpu.memory_space<vmem>>, vector<1000x128xf32>
    %get3A_26 = arith.constant 0 : index
    %get3A_27 = arith.constant 0 : index
    %get3A_28 = vector.load %arg4[%get3A_26, %get3A_27] : memref<128x128xf32, #tpu.memory_space<vmem>>, vector<128x128xf32>
    %dot_general3A = arith.constant dense<0.000000e+00> : vector<1000x128xf32>
    %dot_general3A_29 = tpu.matmul %get3A_25, %get3A_28, %dot_general3A {dimension_numbers = #tpu.dot_dimension_numbers<[1], [0], [0], [1], [0, 0, 1, 1], [], []>, transpose_lhs_hint = false} : vector<1000x128xf32>, vector<128x128xf32>, vector<1000x128xf32> -> vector<1000x128xf32>
    %get3A_30 = arith.constant 0 : index
    %get3A_31 = arith.constant 0 : index
    %get3A_32 = vector.load %arg5[%get3A_30, %get3A_31] : memref<128x128xf32, #tpu.memory_space<vmem>>, vector<128x128xf32>
    %dot_general3A_33 = arith.constant dense<0.000000e+00> : vector<1000x128xf32>
    %dot_general3A_34 = tpu.matmul %div3A_22, %get3A_32, %dot_general3A_33 {dimension_numbers = #tpu.dot_dimension_numbers<[1], [0], [0], [1], [0, 0, 1, 1], [], []>, transpose_lhs_hint = false} : vector<1000x128xf32>, vector<128x128xf32>, vector<1000x128xf32> -> vector<1000x128xf32>
    %add3A_35 = arith.addf %dot_general3A_29, %dot_general3A_34 : vector<1000x128xf32>
    %get3A_36 = arith.constant 0 : index
    %get3A_37 = arith.constant 0 : index
    %get3A_38 = vector.load %arg6[%get3A_36, %get3A_37] : memref<1x128xf32, #tpu.memory_space<vmem>>, vector<1x128xf32>
    %add3A_39 = vector.broadcast %get3A_38 : vector<1x128xf32> to vector<1000x128xf32>
    %add3A_40 = arith.addf %add3A_35, %add3A_39 : vector<1000x128xf32>
    %swap3A = arith.constant 0 : index
    %swap3A_41 = arith.constant 0 : index
    %swap3A_42 = vector.load %arg7[%swap3A, %swap3A_41] : memref<1000x128xf32, #tpu.memory_space<vmem>>, vector<1000x128xf32>
    tpu.vector_store %arg7[%swap3A, %swap3A_41], %add3A_40 {strides = array<i32>} : memref<1000x128xf32, #tpu.memory_space<vmem>>, vector<1000x128xf32>,
    return
  }
  func.func @transform_0(%arg0: i32) -> (i32, i32) {
    %c0_i32 = arith.constant 0 : i32
    %c0_i32_0 = arith.constant 0 : i32
    return %arg0, %c0_i32 : i32, i32
  }
  func.func @transform_1(%arg0: i32) -> (i32, i32, i32) {
    %c0_i32 = arith.constant 0 : i32
    %c0_i32_0 = arith.constant 0 : i32
    %c0_i32_1 = arith.constant 0 : i32
    return %c0_i32, %arg0, %c0_i32_0 : i32, i32, i32
  }
  func.func @transform_2(%arg0: i32) -> (i32, i32, i32) {
    %c0_i32 = arith.constant 0 : i32
    %c0_i32_0 = arith.constant 0 : i32
    %c0_i32_1 = arith.constant 0 : i32
    return %c0_i32, %arg0, %c0_i32_0 : i32, i32, i32
  }
  func.func @transform_3(%arg0: i32) -> (i32, i32) {
    %c0_i32 = arith.constant 0 : i32
    %c0_i32_0 = arith.constant 0 : i32
    %c0_i32_1 = arith.constant 0 : i32
    return %c0_i32, %c0_i32_0 : i32, i32
  }
  func.func @transform_4(%arg0: i32) -> (i32, i32) {
    %c0_i32 = arith.constant 0 : i32
    %c0_i32_0 = arith.constant 0 : i32
    %c0_i32_1 = arith.constant 0 : i32
    return %c0_i32, %c0_i32_0 : i32, i32
  }
  func.func @transform_5(%arg0: i32) -> (i32, i32) {
    %c0_i32 = arith.constant 0 : i32
    %c0_i32_0 = arith.constant 0 : i32
    %c0_i32_1 = arith.constant 0 : i32
    return %c0_i32, %c0_i32_0 : i32, i32
  }
  func.func @transform_6(%arg0: i32) -> (i32, i32) {
    %c0_i32 = arith.constant 0 : i32
    %c0_i32_0 = arith.constant 0 : i32
    return %arg0, %c0_i32 : i32, i32
  }
}

module attributes {stable_mosaic.version = 14 : i64} {
  func.func @body(%arg0: i32, %arg1: memref<1000x128xf32, #tpu.memory_space<vmem>>, %arg2: memref<2x1000x128xf32, #tpu.memory_space<vmem>>, %arg3: memref<2x1000x16xf32, #tpu.memory_space<vmem>>, %arg4: memref<128x128xf32, #tpu.memory_space<vmem>>, %arg5: memref<128x128xf32, #tpu.memory_space<vmem>>, %arg6: memref<1x128xf32, #tpu.memory_space<vmem>>, %arg7: memref<1000x128xf32, #tpu.memory_space<vmem>>) attributes {dimension_semantics = [#tpu.dimension_semantics<arbitrary>], iteration_bounds = array<i64: 10>, scalar_prefetch = 0 : i64, scratch_operands = 0 : i64, tpu.core_type = #tpu.core_type<tc>, window_params = [{transform_indices = @transform_0, window_bounds = array<i64: 1000, 128>}, {transform_indices = @transform_1, window_bounds = array<i64: 2, 1000, 128>}, {transform_indices = @transform_2, window_bounds = array<i64: 2, 1000, 16>}, {pipeline_mode = #tpu.pipeline_mode<synchronous>, transform_indices = @transform_3, window_bounds = array<i64: 128, 128>}, {pipeline_mode = #tpu.pipeline_mode<synchronous>, transform_indices = @transform_4, window_bounds = array<i64: 128, 128>}, {pipeline_mode = #tpu.pipeline_mode<synchronous>, transform_indices = @transform_5, window_bounds = array<i64: 1, 128>}, {transform_indices = @transform_6, window_bounds = array<i64: 1000, 128>}]} {
    %get3A = arith.constant 0 : index
    %get3A_0 = arith.constant 0 : index
    %get3A_1 = arith.constant 0 : index
    %get3A_2 = vector.load %arg2[%get3A, %get3A_0, %get3A_1] : memref<2x1000x128xf32, #tpu.memory_space<vmem>>, vector<1x1000x128xf32>
    %get3A_3 = vector.shape_cast %get3A_2 : vector<1x1000x128xf32> to vector<1000x128xf32>
    %get3A_4 = arith.constant 1 : index
    %get3A_5 = arith.constant 0 : index
    %get3A_6 = arith.constant 0 : index
    %get3A_7 = vector.load %arg2[%get3A_4, %get3A_5, %get3A_6] : memref<2x1000x128xf32, #tpu.memory_space<vmem>>, vector<1x1000x128xf32>
    %get3A_8 = vector.shape_cast %get3A_7 : vector<1x1000x128xf32> to vector<1000x128xf32>
    %add3A = arith.addf %get3A_3, %get3A_8 : vector<1000x128xf32>
    %get3A_9 = arith.constant 0 : index
    %get3A_10 = arith.constant 0 : index
    %get3A_11 = arith.constant 0 : index
    %get3A_12 = vector.load %arg3[%get3A_9, %get3A_10, %get3A_11] : memref<2x1000x16xf32, #tpu.memory_space<vmem>>, vector<1x1000x1xf32>
    %get3A_13 = vector.shape_cast %get3A_12 : vector<1x1000x1xf32> to vector<1000x1xf32>
    %get3A_14 = arith.constant 1 : index
    %get3A_15 = arith.constant 0 : index
    %get3A_16 = arith.constant 0 : index
    %get3A_17 = vector.load %arg3[%get3A_14, %get3A_15, %get3A_16] : memref<2x1000x16xf32, #tpu.memory_space<vmem>>, vector<1x1000x1xf32>
    %get3A_18 = vector.shape_cast %get3A_17 : vector<1x1000x1xf32> to vector<1000x1xf32>
    %add3A_19 = arith.addf %get3A_13, %get3A_18 : vector<1000x1xf32>
    %max3A = arith.constant 1.000000e+00 : f32
    %max3A_20 = vector.broadcast %max3A : f32 to vector<1000x1xf32>
    %max3A_21 = arith.maximumf %add3A_19, %max3A_20 : vector<1000x1xf32>
    %div3A = vector.broadcast %max3A_21 : vector<1000x1xf32> to vector<1000x128xf32>
    %div3A_22 = arith.divf %add3A, %div3A : vector<1000x128xf32>
    %get3A_23 = arith.constant 0 : index
    %get3A_24 = arith.constant 0 : index
    %get3A_25 = vector.load %arg1[%get3A_23, %get3A_24] : memref<1000x128xf32, #tpu.memory_space<vmem>>, vector<1000x128xf32>
    %get3A_26 = arith.constant 0 : index
    %get3A_27 = arith.constant 0 : index
    %get3A_28 = vector.load %arg4[%get3A_26, %get3A_27] : memref<128x128xf32, #tpu.memory_space<vmem>>, vector<128x128xf32>
    %dot_general3A = arith.constant dense<0.000000e+00> : vector<1000x128xf32>
    %dot_general3A_29 = tpu.matmul %get3A_25, %get3A_28, %dot_general3A {dimension_numbers = #tpu.dot_dimension_numbers<[1], [0], [0], [1], [0, 0, 1, 1], [], []>, transpose_lhs_hint = false} : vector<1000x128xf32>, vector<128x128xf32>, vector<1000x128xf32> -> vector<1000x128xf32>
    %get3A_30 = arith.constant 0 : index
    %get3A_31 = arith.constant 0 : index
    %get3A_32 = vector.load %arg5[%get3A_30, %get3A_31] : memref<128x128xf32, #tpu.memory_space<vmem>>, vector<128x128xf32>
    %dot_general3A_33 = arith.constant dense<0.000000e+00> : vector<1000x128xf32>
    %dot_general3A_34 = tpu.matmul %div3A_22, %get3A_32, %dot_general3A_33 {dimension_numbers = #tpu.dot_dimension_numbers<[1], [0], [0], [1], [0, 0, 1, 1], [], []>, transpose_lhs_hint = false} : vector<1000x128xf32>, vector<128x128xf32>, vector<1000x128xf32> -> vector<1000x128xf32>
    %add3A_35 = arith.addf %dot_general3A_29, %dot_general3A_34 : vector<1000x128xf32>
    %get3A_36 = arith.constant 0 : index
    %get3A_37 = arith.constant 0 : index
    %get3A_38 = vector.load %arg6[%get3A_36, %get3A_37] : memref<1x128xf32, #tpu.memory_space<vmem>>, vector<1x128xf32>
    %add3A_39 = vector.broadcast %get3A_38 : vector<1x128xf32> to vector<1000x128xf32>
    %add3A_40 = arith.addf %add3A_35, %add3A_39 : vector<1000x128xf32>
    %max3A_41 = arith.constant 0.000000e+00 : f32
    %max3A_42 = vector.broadcast %max3A_41 : f32 to vector<1000x128xf32>
    %max3A_43 = arith.maximumf %add3A_40, %max3A_42 : vector<1000x128xf32>
    %swap3A = arith.constant 0 : index
    %swap3A_44 = arith.constant 0 : index
    %swap3A_45 = vector.load %arg7[%swap3A, %swap3A_44] : memref<1000x128xf32, #tpu.memory_space<vmem>>, vector<1000x128xf32>
    tpu.vector_store %arg7[%swap3A, %swap3A_44], %max3A_43 {strides = array<i32>} : memref<1000x128xf32, #tpu.memory_space<vmem>>, vector<1000x128xf32>,
    return
  }
  func.func @transform_0(%arg0: i32) -> (i32, i32) {
    %c0_i32 = arith.constant 0 : i32
    %c0_i32_0 = arith.constant 0 : i32
    return %arg0, %c0_i32 : i32, i32
  }
  func.func @transform_1(%arg0: i32) -> (i32, i32, i32) {
    %c0_i32 = arith.constant 0 : i32
    %c0_i32_0 = arith.constant 0 : i32
    %c0_i32_1 = arith.constant 0 : i32
    return %c0_i32, %arg0, %c0_i32_0 : i32, i32, i32
  }
  func.func @transform_2(%arg0: i32) -> (i32, i32, i32) {
    %c0_i32 = arith.constant 0 : i32
    %c0_i32_0 = arith.constant 0 : i32
    %c0_i32_1 = arith.constant 0 : i32
    return %c0_i32, %arg0, %c0_i32_0 : i32, i32, i32
  }
  func.func @transform_3(%arg0: i32) -> (i32, i32) {
    %c0_i32 = arith.constant 0 : i32
    %c0_i32_0 = arith.constant 0 : i32
    %c0_i32_1 = arith.constant 0 : i32
    return %c0_i32, %c0_i32_0 : i32, i32
  }
  func.func @transform_4(%arg0: i32) -> (i32, i32) {
    %c0_i32 = arith.constant 0 : i32
    %c0_i32_0 = arith.constant 0 : i32
    %c0_i32_1 = arith.constant 0 : i32
    return %c0_i32, %c0_i32_0 : i32, i32
  }
  func.func @transform_5(%arg0: i32) -> (i32, i32) {
    %c0_i32 = arith.constant 0 : i32
    %c0_i32_0 = arith.constant 0 : i32
    %c0_i32_1 = arith.constant 0 : i32
    return %c0_i32, %c0_i32_0 : i32, i32
  }
  func.func @transform_6(%arg0: i32) -> (i32, i32) {
    %c0_i32 = arith.constant 0 : i32
    %c0_i32_0 = arith.constant 0 : i32
    return %arg0, %c0_i32 : i32, i32
  }
}

</mosaic_0001>

<sc_bundles>
// kernel: kernel.6.cloned.1.call-start
scs
__scs_entry_jumppad:
0x0: {  	(pc) =	sbr.rel $0x88, $3  }
0x1: {  	(tag) =	ssettag $0x0;
	lr =	simm.s32 $0x1  }
0x2: {  	[smem:$0x3F99] =	sst lr;
	_ =	strace $0xD0000000  }
0x3: {  	_ = 	snop  }
0x4: {  	_ = 	snop  }
0x5: {  	_ = 	snop  }
0x6: {  	_ = 	snop  }
0x7: {  	_ = 	snop  }
__scs_overlays_trampoline_lowered:
0x8: {  	[smem:$0x3FA8] =	sst s0  }
0x9: {  	[smem:$0x3FA9] =	sst s1  }
0xa: {  	[smem:$0x3FAA] =	sst s2  }
0xb: {  	[smem:$0x3FAB] =	sst s3  }
0xc: {  	[smem:$0x3FAC] =	sst s4  }
0xd: {  	[smem:$0x3FAD] =	sst s5  }
0xe: {  	[smem:$0x3FAE] =	sst s6  }
0xf: {  	[smem:$0x3FAF] =	sst s7  }
0x10: {  	[smem:$0x3FB0] =	sst s8  }
0x11: {  	[smem:$0x3FB1] =	sst s9;
	s0 =	simm.s32 @!p0 $0x0  }
0x12: {  	s1 =	sld [smem:$0x3F97];
	s0 =	simm.s32 @p0 $0x1  }
0x13: {  	[smem:$0x3FB2] =	sst s0;
	s0 =	simm.s32 @!p1 $0x0  }
0x14: {  	s2 =	sld [smem:$0x3F96];
	s0 =	simm.s32 @p1 $0x1  }
0x15: {  	[smem:$0x3FB3] =	sst s0;
	s0 =	simm.s32 @!p2 $0x0  }
0x16: {  	s3 =	sld [smem:$0x3FDB];
	s0 =	simm.s32 @p2 $0x1  }
0x17: {  	s4 =	simm.s32 $0x1BF5;
	[smem:$0x3FB5] =	sst s0  }
0x18: {  	s0 =	sld [smem:$0x3F98];
	_ =	swait.ge [sflag:s4], $0x0  }
0x19: {  	s7 =	sld [smem:$0x3F99]  }
0x1a: {  	s8 =	sadd.s32 $0xFFFFE003, lr  }
0x1b: {  	s9 =	sadd.s32 $0xFFFFFEF7, lr;
	s5 =	simm.s32 $0xFFFFFFFF;
	p2 =	slt.u32 s8, $0xFFFFF086  }
0x1c: {  	p1 =	slt.u32 s9, $0xF7A;
	s5 =	simm.s32 @!p2 $0x0  }
0x1d: {  	s5 =	simm.s32 @p1 $0x1;
	p0 =	seq.s32 s7, s2  }
0x1e: {  	s7 =	smul.u32 @!p0 $0xF7A, s2;
	p2 =	seq.s32 @!p0 s5, $0x0  }
0x1f: {  	s9 =	smul.u32 $0xF7A, s1;
	s8 =	simm.s32 @!p0 $0x1BF5;
	p2 =	por !p2, p0  }
0x20: {  	[sflag:s8] =	ssyncset.s32 @!p0 $0xFFFFF086;
	s6 =	sadd.s32 @!p0 s3, s7;
	s7 =	simm.s32 @!p0 $0x108  }
0x21: {  	s3 =	sadd.s32 s3, s9;
	s6 =	sadd.s32 @!p0 $0x88, s6;
	s7 =	simm.s32 @p2 $0x1082  }
0x22: {  	[simem:s7], [sflag:s8] =	dma.local @!p0 [hbm:s6], $0xF7A  }
0x23: {  	s9 =	sor.u32 $0xD0000000, s2;
	s6 =	simm.s32 $0x108;
	_ =	swait.ge @!p0 [sflag:s8], $0x0  }
0x24: {  	s3 =	sadd.s32 $0x88, s3;
	s6 =	simm.s32 @!p1 $0x1082;
	[sflag:s4] =	ssyncset.s32 $0xFFFFF086  }
0x25: {  	[simem:s6], [sflag:s4] =	dma.local [hbm:s3], $0xF7A  }
0x26: {  	[smem:$0x3F99] =	sst s1;
	(tag) =	ssettag s2;
	_ =	strace s9  }
0x27: {  	s1 =	sld [smem:$0x3FA9]  }
0x28: {  	s2 =	sld [smem:$0x3FAA]  }
0x29: {  	s4 =	sld [smem:$0x3FAC]  }
0x2a: {  	p0 =	seq.s32 s5, $0x0;
	s5 =	sld [smem:$0x3FAD]  }
0x2b: {  	s6 =	sld [smem:$0x3FAE]  }
0x2c: {  	s7 =	sld [smem:$0x3FAF]  }
0x2d: {  	s3 =	simm.s32 $0x108;
	s8 =	sld [smem:$0x3FB0]  }
0x2e: {  	s3 =	simm.s32 @!p0 $0x1082;
	s9 =	sld [smem:$0x3FB1]  }
0x2f: {  	lr =	sadd.s32 s0, s3;
	s0 =	sld [smem:$0x3FA8]  }
0x30: {  	s3 =	sld [smem:$0x3FAB]  }
0x31: {  	[smem:$0x3FB4] =	sst s10  }
0x32: {  	s10 =	sld [smem:$0x3FB2];
	_ =	sdelay $0x3  }
0x33: {  	p0 =	seq.s32 s10, $0x1;
	s10 =	sld [smem:$0x3FB4];
	_ =	sdelay $0x3  }
0x34: {  	[smem:$0x3FB4] =	sst s10  }
0x35: {  	s10 =	sld [smem:$0x3FB3];
	_ =	sdelay $0x3  }
0x36: {  	p1 =	seq.s32 s10, $0x1;
	s10 =	sld [smem:$0x3FB4];
	_ =	sdelay $0x3  }
0x37: {  	[smem:$0x3FB4] =	sst s10  }
0x38: {  	s10 =	sld [smem:$0x3FB5]  }
0x39: {  	_ = 	snop;
	(pc) =	sbr.ind lr, $3  }
0x3a: {  	_ = 	snop  }
0x3b: {  	_ = 	snop  }
0x3c: {  	p2 =	seq.s32 s10, $0x1;
	s10 =	sld [smem:$0x3FB4]  }
0x3d: {  	_ =	shalt  }
0x3e: {  	_ =	shalt  }
0x3f: {  	_ =	shalt  }
0x40: {  	_ =	shalt  }
0x41: {  	_ =	shalt  }
0x42: {  	_ =	shalt  }
0x43: {  	_ =	shalt  }
0x44: {  	_ =	shalt  }
0x45: {  	_ =	shalt  }
0x46: {  	_ =	shalt  }
0x47: {  	_ =	shalt  }
0x48: {  	_ =	shalt  }
0x49: {  	_ =	shalt  }
0x4a: {  	_ =	shalt  }
0x4b: {  	_ =	shalt  }
0x4c: {  	_ =	shalt  }
0x4d: {  	_ =	shalt  }
0x4e: {  	_ =	shalt  }
0x4f: {  	_ =	shalt  }
0x50: {  	_ =	shalt  }
0x51: {  	_ =	shalt  }
0x52: {  	_ =	shalt  }
0x53: {  	_ =	shalt  }
0x54: {  	_ =	shalt  }
0x55: {  	_ =	shalt  }
0x56: {  	_ =	shalt  }
0x57: {  	_ =	shalt  }
0x58: {  	_ =	shalt  }
0x59: {  	_ =	shalt  }
0x5a: {  	_ =	shalt  }
0x5b: {  	_ =	shalt  }
0x5c: {  	_ =	shalt  }
0x5d: {  	_ =	shalt  }
0x5e: {  	_ =	shalt  }
0x5f: {  	_ =	shalt  }
0x60: {  	_ =	shalt  }
0x61: {  	_ =	shalt  }
0x62: {  	_ =	shalt  }
0x63: {  	_ =	shalt  }
0x64: {  	_ =	shalt  }
0x65: {  	_ =	shalt  }
0x66: {  	_ =	shalt  }
0x67: {  	_ =	shalt  }
0x68: {  	_ =	shalt  }
0x69: {  	_ =	shalt  }
0x6a: {  	_ =	shalt  }
0x6b: {  	_ =	shalt  }
0x6c: {  	_ =	shalt  }
0x6d: {  	_ =	shalt  }
0x6e: {  	_ =	shalt  }
0x6f: {  	_ =	shalt  }
0x70: {  	_ =	shalt  }
0x71: {  	_ =	shalt  }
0x72: {  	_ =	shalt  }
0x73: {  	_ =	shalt  }
0x74: {  	_ =	shalt  }
0x75: {  	_ =	shalt  }
0x76: {  	_ =	shalt  }
0x77: {  	_ =	shalt  }
0x78: {  	_ =	shalt  }
0x79: {  	_ =	shalt  }
0x7a: {  	_ =	shalt  }
0x7b: {  	_ =	shalt  }
0x7c: {  	_ =	shalt  }
0x7d: {  	_ =	shalt  }
0x7e: {  	_ =	shalt  }
0x7f: {  	_ =	shalt  }
0x80: {  	_ =	shalt  }
0x81: {  	_ =	shalt  }
0x82: {  	_ =	shalt  }
0x83: {  	_ =	shalt  }
0x84: {  	_ =	shalt  }
0x85: {  	_ =	shalt  }
0x86: {  	_ =	shalt  }
0x87: {  	_ =	shalt  }
.Lfunc_end0:
.L_simem_size_0:
called_computation_lowered:
.L_overlay_start_0:
0x88: {  	s2 =	sld [smem:$0x3FD9]  }
0x89: {  	s3 =	sld [smem:$0x3FFE];
	_ =	sdelay $0x1  }
0x8a: {  	s1 =	srdreg.scid  }
0x8b: {  	s0 =	sand.u32 $0x1, s1  }
0x8c: {  	s17 =	sshll.u32 s0, $0xA;
	s2 =	sadd.s32 s3, s2  }
0x8d: {  	s2 =	sadd.s32 s2, s17  }
0x8e: {  	[smem:$0x3FC0] =	sst s2  }
0x8f: {  	_ = 	snop  }
0x90: {  	s2 =	sld [smem:$0x3FC9]  }
0x91: {  	s18 =	sld [smem:$0x3FD0];
	(tm) =	ssettm $0x1  }
0x92: {  	s4 =	sld [smem:$0x3FFB];
	_ =	sdelay $0x3  }
0x93: {  	_ =	strace s4  }
0x94: {  	s4 =	sld [smem:$0x3FFC];
	_ =	sdelay $0x3  }
0x95: {  	_ =	strace s4  }
0x96: {  	s4 =	sld [smem:$0x3FFD];
	_ =	sdelay $0x3  }
0x97: {  	_ =	strace s4  }
0x98: {  	_ =	strace $0x8FFFFFFF  }
0x99: {  	s19 =	sld [smem:$0x3FDB];
	_ =	sdelay $0x1  }
0x9a: {  	s5 =	simm.s32 $_scs_section_size  }
0x9b: {  	s6 =	simm.s32 $_size__tile_overlayer_lowered;
	s7 =	simm.s32 $_tile_overlayer_lowered  }
0x9c: {  	s22 =	simm.s32 $0x1BFF;
	s21 =	sshll.u32 s7, $0x1;
	s4 =	sadd.s32 s5, s19  }
0x9d: {  	s8 =	simm.s32 $0x0;
	s20 =	sshll.u32 s6, $0x1;
	s6 =	sadd.s32 s21, s4  }
0x9e: {  	[timem:s8], [sflag:s22] =	dma.local [hbm:s6], s20  }
0x9f: {  	_ =	swait.ge [sflag:s22], s20  }
0xa0: {  	s5 =	ssub.s32 $0x0, s20;
	[sflag:s22] =	ssyncset.done $0x0  }
0xa1: {  	[sflag:s22] =	ssyncadd.s32 s5;
	_ =	sdelay $0x1  }
0xa2: {  	s23 =	simm.s32 $0x1B8B  }
0xa3: {  	_ =	swait.ge [sflag:s23], $0x1  }
0xa4: {  	[sflag:s23] =	ssyncset.done $0x0  }
0xa5: {  	s25 =	simm.s32 $0x1B8E;
	s24 =	sld [smem:$0x3FFE];
	[sflag:s23] =	ssyncadd.s32 $0xFFFFFFFF  }
0xa6: {  	s26 =	simm.s32 $execute0_lowered;
	[smem:$0x3FD2] =	sst s25  }
0xa7: {  	s6 =	sshll.u32 s26, $0x1;
	_ =	strace $0x80000046;
	[dreg:$0x1] =	wrdreg $0xFFFFFFFF  }
0xa8: {  	s28 =	simm.s32 $_size_execute0_lowered;
	s4 =	sadd.s32 s4, s6;
	[dreg:$0x0] =	wrdreg $0x0  }
0xa9: {  	s6 =	sshll.u32 s28, $0x1;
	[dreg:$0x2] =	wrdreg s4  }
0xaa: {  	[dreg:$0x3] =	wrdreg s6  }
0xab: {  	[dreg:$0x4] =	wrdreg $0xC0  }
0xac: {  	_ =	task [dreg:s8], $0x5FFFF  }
0xad: {  	[dreg:$0x1] =	wrdreg $0xFFFFFFFF  }
0xae: {  	[dreg:$0x0] =	wrdreg $0x60  }
0xaf: {  	[dreg:$0x2] =	wrdreg s2  }
0xb0: {  	[dreg:$0x3] =	wrdreg s24  }
0xb1: {  	[dreg:$0x4] =	wrdreg s18  }
0xb2: {  	[dreg:$0x5] =	wrdreg $0x49000  }
0xb3: {  	[dreg:$0x6] =	wrdreg $0x181800  }
0xb4: {  	[dreg:$0x7] =	wrdreg $0x9  }
0xb5: {  	_ =	task.clear_ibuf [dreg:s8], $0x8FFFF;
	_ =	strace $0x90000046  }
0xb6: {  	s29 =	simm.s32 $0x9;
	_ =	strace $0x80000048  }
0xb7: {  	_ =	swait.ge [sflag:s29], $0x1  }
0xb8: {  	[sflag:s29] =	ssyncadd.s32 $0xFFFFFFFF  }
0xb9: {  	_ =	strace $0x90000048  }
0xba: {  	_ =	sfence  }
0xbb: {  	s30 =	sld [smem:$0x0];
	_ =	sdelay $0x2  }
0xbc: {  	s31 =	sshll.u32 s1, $0xD;
	s1 =	sshrl.u32 s1, $0x2  }
0xbd: {  	s3 =	sand.u32 $0x4000, s31;
	s1 =	sadd.s32 s1, s30  }
0xbe: {  	s0 =	sor.u32 s3, s0;
	s1 =	sshll.u32 s1, $0x11  }
0xbf: {  	s0 =	sor.u32 s1, s0  }
0xc0: {  	s0 =	sadd.s32 $0x8F2B, s0  }
0xc1: {  	[sflag:s0] =	ssyncadd.remote.s32 $0x1  }
0xc2: {  	_ =	sfence.sel $0xFFFF  }
0xc3: {  	[dreg:$0x0] =	wrdreg $0xFFFFFFFF;
	(pc) =	sbr.abs _section_cstart, $3  }
0xc4: {  	[dreg:$0x1] =	wrdreg $0xFFFFFFFF  }
0xc5: {  	_ =	task.clear_ibuf [dreg:s8], $0x2FFFF;
	_ =	strace $0x9FFFFFFF  }
0xc6: {  	(tm) =	ssettm $0x7FFFFFFF  }
0xc7: {  	_ =	shalt  }
tec
execute0_lowered:
.L_overlay_start_1:
0x0: {  	(tag) =	ssettag $0x1  }
0x1: {  	s0 =	rddreg [dreg:$0x0]  }
0x2: {  	s1 =	rddreg [dreg:$0x1]  }
0x3: {  	s2 =	rddreg [dreg:$0x2]  }
0x4: {  	s3 =	rddreg [dreg:$0x3];
	s5 =	srdreg.scid  }
0x5: {  	s4 =	rddreg [dreg:$0x4];
	s22 =	stileid.u32  }
0x6: {  	s28 =	simm.s32 $0x100;
	s29 =	simm.s32 $0x0;
	s6 =	sand.u32 $0x1, s5  }
0x7: {  	s8 =	sshll.u32 s22, $0x7;
	s5 =	simm.s32 $0x0;
	s15 =	smul.u32 $0x2700, s22  }
0x8: {  	s16 =	sadd.s32 $0x16200, s1;
	s19 =	sadd.s32 $0x25200, s1;
	s12 =	smul.u32 $0x13800, s22  }
0x9: {  	s20 =	sadd.s32 $0x1B400, s1;
	s25 =	sshll.u32 s22, $0x6;
	s13 =	sadd.s32 $0x27000, s2  }
0xa: {  	s14 =	sadd.s32 $0x27000, s4;
	s7 =	sshll.u32 s6, $0xB;
	[smem:$0x7FF] =	sst s5  }
0xb: {  	s17 =	ssub.s32 $0x2, s6;
	s18 =	sshll.u32 s6, $0x4;
	s6 =	smul.u32 $0x2710, s6  }
0xc: {  	s7 =	sor.u32 s8, s7;
	_ =	strace $0x80000047;
	s9 =	sshrl.u32 s15, $0x3  }
0xd: {  	[dreg:$0x6] =	wrdreg s16;
	s11 =	sshrl.u32 s17, $0x1;
	s16 =	sor.u32 s22, s18  }
0xe: {  	s23 =	sshrl.u32 s12, $0x3;
	s24 =	sadd.s32 s12, s3;
	s8 =	sadd.s32 s15, s4  }
0xf: {  	s12 =	sadd.s32 $0x138000, s3;
	s15 =	sadd.s32 $0x1B200, s1;
	s7 =	sshrl.u32 s7, $0x3  }
0x10: {  	s10 =	sadd.s32 s9, s1;
	s21 =	ssub.s32 s17, s11;
	[dreg:$0x7] =	wrdreg s24  }
0x11: {  	s17 =	smul.u32 $0x270, s22;
	s9 =	sadd.s32 s2, s23;
	[dreg:$0x9] =	wrdreg s8  }
0x12: {  	p0 =	slt.u32 s16, $0x4;
	s16 =	simm.s32 $0x4F;
	s31 =	sadd.s32 $0x2700, s6  }
0x13: {  	s24 =	simm.s32 $0x1;
	s7 =	sadd.s32 s7, s1;
	[dreg:$0x8] =	wrdreg s9  }
0x14: {  	s9 =	sor.u32 $0x1C01, s25;
	s11 =	sadd.s32 $0x16400, s10;
	s16 =	simm.s32 @!p0 $0x4E  }
0x15: {  	s2 =	sshll.u32 s31, $0x1;
	s21 =	smax.u32 s21, $0x1;
	p0 =	sne.s32 s22, $0xF  }
0x16: {  	s25 =	simm.s32 $0x4100;
	s26 =	sadd.s32 s17, s6;
	s6 =	sshll.u32 s31, $0x4  }
0x17: {  	s8 =	sadd.s32 $0x2600, s7;
	s10 =	sadd.s32 $0xC400, s7;
	s30 =	sshll.u32 s26, $0x4  }
0x18: {  	s1 =	sshll.u32 s26, $0x1;
	s26 =	simm.s32 $0x80;
	s17 =	sadd.s32 s19, s30  }
0x19: {  	s18 =	sadd.s32 s20, s1;
	s19 =	sadd.s32 s19, s6;
	s20 =	sadd.s32 s20, s2  }
.LBB2_1:
0x1a: {  	s1 =	rddreg [dreg:$0x7]  }
0x1b: {  	s22 =	rddreg [dreg:$0x8];
	s31 =	sshrl.u32 s1, $0x3  }
0x1c: {  	[spmem:s31], [sflag:s9] =	dma.local [hbm:s22], $0x2700  }
0x1d: {  	_ =	swait.ge [sflag:s24], $0x2700  }
0x1e: {  	[sflag:s24] =	ssyncset.done $0x0;
	s23 =	rddreg [dreg:$0x9]  }
0x1f: {  	[sflag:s24] =	ssyncadd.s32 $0xFFFFD900;
	s1 =	sshrl.u32 s23, $0x3  }
0x20: {  	[spmem:s1], [sflag:s9] =	dma.local [hbm:s11], $0x4E0  }
0x21: {  	_ =	swait.ge [sflag:s24], $0x4E0  }
0x22: {  	[sflag:s24] =	ssyncset.done $0x0  }
0x23: {  	s2 =	rddreg [dreg:$0x6];
	[sflag:s24] =	ssyncadd.s32 $0xFFFFFB20  }
0x24: {  	[tilespmem:s25], [sflag:$0x1] =	stream.linear.gather [hbm4b:s2+s5], $0x800, $0x38;
	[tilespmem:$0x1A890] =	vst v63  }
0x25: {  	_ =	swait.ge [sflag:s24], $0x800  }
0x26: {  	[sflag:s24] =	ssyncset.done $0x0  }
0x27: {  	s30 =	simm.s32 @!p0 $0x1;
	s2 =	sshrl.u32 @!p0 s12, $0x3;
	[sflag:s24] =	ssyncadd.s32 $0xFFFFF800  }
0x28: {  	[spmem:s2], [sflag:s9] =	dma.local @!p0 [hbm:s13], $0x100  }
0x29: {  	_ =	swait.ge @!p0 [sflag:s30], $0x100  }
0x2a: {  	[sflag:s30] =	ssyncset.done @!p0 $0x0  }
0x2b: {  	s6 =	sshrl.u32 @!p0 s14, $0x3;
	[sflag:s30] =	ssyncadd.s32 @!p0 $0xFFFFFF00  }
0x2c: {  	[spmem:s6], [sflag:s9] =	dma.local @!p0 [hbm:s15], $0x20  }
0x2d: {  	_ =	swait.ge @!p0 [sflag:s30], $0x20  }
0x2e: {  	[sflag:s30] =	ssyncset.done @!p0 $0x0  }
0x2f: {  	[sflag:s30] =	ssyncadd.s32 @!p0 $0xFFFFFFE0  }
0x30: {  	[bflag:$0x0] =	sbarrier.arrive $0xFFFF  }
0x31: {  	[tilespmem:s5], [sflag:$0x1] =	stream.linear.gather [hbm4b:s10+s5], $0x80, $0x38;
	[tilespmem:$0x1A890] =	vst v63  }
0x32: {  	_ =	swait.ge [sflag:s24], $0x80  }
0x33: {  	[sflag:s24] =	ssyncset.done $0x0  }
0x34: {  	[sflag:s24] =	ssyncadd.s32 $0xFFFFFF80  }
0x35: {  	[tilespmem:s26], [sflag:$0x1] =	stream.linear.gather [hbm4b:s8+s5], $0x80, $0x38;
	[tilespmem:$0x1A890] =	vst v63  }
0x36: {  	_ =	swait.ge [sflag:s24], $0x80  }
0x37: {  	[sflag:s24] =	ssyncset.done $0x0  }
0x38: {  	[sflag:s24] =	ssyncadd.s32 $0xFFFFFF80  }
0x39: {  	[tilespmem:s28], [sflag:$0x1] =	stream.indirect.gather [hbm4b:s0+s26], $0x80, s5, s26, $0xb8;
	[tilespmem:$0x1A890] =	vst v63  }
0x3a: {  	_ =	swait.ge [sflag:s24], $0x4000  }
0x3b: {  	[sflag:s24] =	ssyncset.done $0x0  }
0x3c: {  	[sflag:s24] =	ssyncadd.s32 $0xFFFFC000  }
0x3d: {  	[spmem:s3] =	stream.indirect.scatter.add.f32 [tilespmem:s28], [sflag:$0x1], $0x80, s26, s26, $0xb8;
	[tilespmem:$0x1A890] =	vst v63  }
0x3e: {  	p1 =	sne.s32 s16, $0x1;
	_ =	swait.ge [sflag:s24], $0x4000  }
.Ltmp0:
0x3f: {  	[sflag:s24] =	ssyncset.done $0x0;
	(pc) =	sbr.rel @!p1 .LBB2_3-.Ltmp0, $4  }
0x40: {  	[sflag:s24] =	ssyncadd.s32 $0xFFFFC000  }
0x41: {  	[spmem:s4] =	stream.indirect.scatter.add.f32 [tilespmem:s25], [sflag:$0x1], $0x10, s26, s26, $0xb8;
	[tilespmem:$0x1A890] =	vst v63  }
0x42: {  	s7 =	sadd.s32 $0xFFFFFFFF, s16;
	_ =	swait.ge [sflag:s24], $0x800  }
0x43: {  	s22 =	smov.u32 s8;
	s23 =	smov.u32 s10;
	[sflag:s24] =	ssyncset.done $0x0  }
.LBB2_2:
0x44: {  	[sflag:s24] =	ssyncadd.s32 $0xFFFFF800;
	s22 =	sadd.s32 $0x200, s22;
	s23 =	sadd.s32 $0x200, s23  }
0x45: {  	[tilespmem:s5], [sflag:$0x1] =	stream.linear.gather [hbm4b:s23+s5], $0x80, $0x38;
	[tilespmem:$0x1A890] =	vst v63  }
0x46: {  	p1 =	sne.s32 s7, $0x1;
	s7 =	sadd.s32 $0xFFFFFFFF, s7;
	_ =	swait.ge [sflag:s24], $0x80  }
0x47: {  	[sflag:s24] =	ssyncset.done $0x0  }
0x48: {  	[sflag:s24] =	ssyncadd.s32 $0xFFFFFF80  }
0x49: {  	[tilespmem:s26], [sflag:$0x1] =	stream.linear.gather [hbm4b:s22+s5], $0x80, $0x38;
	[tilespmem:$0x1A890] =	vst v63  }
0x4a: {  	_ =	swait.ge [sflag:s24], $0x80  }
0x4b: {  	[sflag:s24] =	ssyncset.done $0x0  }
0x4c: {  	[sflag:s24] =	ssyncadd.s32 $0xFFFFFF80  }
0x4d: {  	[tilespmem:s28], [sflag:$0x1] =	stream.indirect.gather [hbm4b:s0+s26], $0x80, s5, s26, $0xb8;
	[tilespmem:$0x1A890] =	vst v63  }
0x4e: {  	_ =	swait.ge [sflag:s24], $0x4000  }
0x4f: {  	[sflag:s24] =	ssyncset.done $0x0  }
0x50: {  	[sflag:s24] =	ssyncadd.s32 $0xFFFFC000  }
0x51: {  	[spmem:s3] =	stream.indirect.scatter.add.f32 [tilespmem:s28], [sflag:$0x1], $0x80, s26, s26, $0xb8;
	[tilespmem:$0x1A890] =	vst v63  }
0x52: {  	_ =	swait.ge [sflag:s24], $0x4000  }
.Ltmp1:
0x53: {  	[sflag:s24] =	ssyncset.done $0x0;
	(pc) =	sbr.rel @p1 .LBB2_2-.Ltmp1, $4  }
0x54: {  	[sflag:s24] =	ssyncadd.s32 $0xFFFFC000  }
0x55: {  	[spmem:s4] =	stream.indirect.scatter.add.f32 [tilespmem:s25], [sflag:$0x1], $0x10, s26, s26, $0xb8;
	[tilespmem:$0x1A890] =	vst v63  }
0x56: {  	_ =	swait.ge [sflag:s24], $0x800  }
0x57: {  	[sflag:s24] =	ssyncset.done $0x0  }
.LBB2_3:
0x58: {  	[sflag:s24] =	ssyncadd.s32 $0xFFFFF800  }
0x59: {  	[bflag:$0x0] =	sbarrier.arrive $0xFFFF  }
0x5a: {  	[hbm:s17], [sflag:s9] =	dma.local [spmem:s31], $0x2700  }
0x5b: {  	_ =	swait.ge [sflag:s24], $0x2700  }
0x5c: {  	[sflag:s24] =	ssyncset.done $0x0  }
0x5d: {  	[sflag:s24] =	ssyncadd.s32 $0xFFFFD900  }
0x5e: {  	[hbm:s18], [sflag:s9] =	dma.local [spmem:s1], $0x4E0  }
0x5f: {  	_ =	swait.ge [sflag:s24], $0x4E0  }
0x60: {  	[sflag:s24] =	ssyncset.done $0x0  }
0x61: {  	[sflag:s24] =	ssyncadd.s32 $0xFFFFFB20  }
0x62: {  	[hbm:s19], [sflag:s9] =	dma.local @!p0 [spmem:s2], $0x100  }
0x63: {  	s29 =	sadd.s32 $0x1, s29;
	_ =	swait.ge @!p0 [sflag:s30], $0x100  }
0x64: {  	p1 =	sne.s32 s29, s21;
	[sflag:s30] =	ssyncset.done @!p0 $0x0  }
.Ltmp2:
0x65: {  	[sflag:s30] =	ssyncadd.s32 @!p0 $0xFFFFFF00;
	(pc) =	sbr.rel @p1 .LBB2_1-.Ltmp2, $4  }
0x66: {  	[hbm:s20], [sflag:s9] =	dma.local @!p0 [spmem:s6], $0x20  }
0x67: {  	_ =	swait.ge @!p0 [sflag:s30], $0x20  }
0x68: {  	[sflag:s30] =	ssyncset.done @!p0 $0x0  }
0x69: {  	[sflag:s30] =	ssyncadd.s32 @!p0 $0xFFFFFFE0  }
0x6a: {  	_ =	sfence.sel $0x180000  }
0x6b: {  	[bflag:$0x0] =	sbarrier.arrive $0xFFFF  }
0x6c: {  	_ =	strace $0x90000047  }
0x6d: {  	s0 =	stileid.u32;
	[bflag:$0x2] =	sbarrier.arrive $0xFFFF  }
0x6e: {  	p0 =	sne.s32 s0, $0x0;
	s0 =	rddreg [dreg:$0x5]  }
0x6f: {  	s0 =	sadd.s32 @!p0 $0x100000, s0  }
0x70: {  	[sflag:s0] =	ssyncadd.tile.s32 @!p0 $0x1;
	_ =	shalt  }
.Lfunc_end2:
_tile_overlayer_lowered:
.L_overlay_start_2:
0x71: {  	(tag) =	ssettag $0x2  }
0x72: {  	s0 =	rddreg [dreg:$0x0];
	s2 =	stileid.u32  }
0x73: {  	s1 =	rddreg [dreg:$0x1];
	p0 =	sne.s32 s2, $0x0  }
0x74: {  	s3 =	rddreg [dreg:$0x2];
	[bflag:$0x3] =	sbarrier.arrive $0xFFFF;
	s2 =	simm.s32 @!p0 $0x1C01  }
0x75: {  	[timem:s3], [sflag:s2] =	dma.local @!p0 [hbm:s0], s1  }
0x76: {  	s0 =	simm.s32 @!p0 $0x1  }
0x77: {  	_ =	swait.ge @!p0 [sflag:s0], s1  }
0x78: {  	s1 =	ssub.s32 @!p0 $0x0, s1;
	[sflag:s0] =	ssyncset.done @!p0 $0x0  }
0x79: {  	[sflag:s0] =	ssyncadd.s32 @!p0 s1  }
0x7a: {  	[bflag:$0x3] =	sbarrier.arrive $0xFFFF  }
0x7b: {  	_ =	shalt  }

// kernel: kernel.9.cloned.1.call-start
scs
__scs_entry_jumppad:
0x0: {  	(pc) =	sbr.rel $0x88, $3  }
0x1: {  	(tag) =	ssettag $0x0;
	lr =	simm.s32 $0x1  }
0x2: {  	[smem:$0x3F99] =	sst lr;
	_ =	strace $0xD0000000  }
0x3: {  	_ = 	snop  }
0x4: {  	_ = 	snop  }
0x5: {  	_ = 	snop  }
0x6: {  	_ = 	snop  }
0x7: {  	_ = 	snop  }
__scs_overlays_trampoline_lowered:
0x8: {  	[smem:$0x3FA8] =	sst s0  }
0x9: {  	[smem:$0x3FA9] =	sst s1  }
0xa: {  	[smem:$0x3FAA] =	sst s2  }
0xb: {  	[smem:$0x3FAB] =	sst s3  }
0xc: {  	[smem:$0x3FAC] =	sst s4  }
0xd: {  	[smem:$0x3FAD] =	sst s5  }
0xe: {  	[smem:$0x3FAE] =	sst s6  }
0xf: {  	[smem:$0x3FAF] =	sst s7  }
0x10: {  	[smem:$0x3FB0] =	sst s8  }
0x11: {  	[smem:$0x3FB1] =	sst s9;
	s0 =	simm.s32 @!p0 $0x0  }
0x12: {  	s1 =	sld [smem:$0x3F97];
	s0 =	simm.s32 @p0 $0x1  }
0x13: {  	[smem:$0x3FB2] =	sst s0;
	s0 =	simm.s32 @!p1 $0x0  }
0x14: {  	s2 =	sld [smem:$0x3F96];
	s0 =	simm.s32 @p1 $0x1  }
0x15: {  	[smem:$0x3FB3] =	sst s0;
	s0 =	simm.s32 @!p2 $0x0  }
0x16: {  	s3 =	sld [smem:$0x3FDB];
	s0 =	simm.s32 @p2 $0x1  }
0x17: {  	s4 =	simm.s32 $0x1BF5;
	[smem:$0x3FB5] =	sst s0  }
0x18: {  	s0 =	sld [smem:$0x3F98];
	_ =	swait.ge [sflag:s4], $0x0  }
0x19: {  	s7 =	sld [smem:$0x3F99]  }
0x1a: {  	s8 =	sadd.s32 $0xFFFFE003, lr  }
0x1b: {  	s9 =	sadd.s32 $0xFFFFFEF7, lr;
	s5 =	simm.s32 $0xFFFFFFFF;
	p2 =	slt.u32 s8, $0xFFFFF086  }
0x1c: {  	p1 =	slt.u32 s9, $0xF7A;
	s5 =	simm.s32 @!p2 $0x0  }
0x1d: {  	s5 =	simm.s32 @p1 $0x1;
	p0 =	seq.s32 s7, s2  }
0x1e: {  	s7 =	smul.u32 @!p0 $0xF7A, s2;
	p2 =	seq.s32 @!p0 s5, $0x0  }
0x1f: {  	s9 =	smul.u32 $0xF7A, s1;
	s8 =	simm.s32 @!p0 $0x1BF5;
	p2 =	por !p2, p0  }
0x20: {  	[sflag:s8] =	ssyncset.s32 @!p0 $0xFFFFF086;
	s6 =	sadd.s32 @!p0 s3, s7;
	s7 =	simm.s32 @!p0 $0x108  }
0x21: {  	s3 =	sadd.s32 s3, s9;
	s6 =	sadd.s32 @!p0 $0x88, s6;
	s7 =	simm.s32 @p2 $0x1082  }
0x22: {  	[simem:s7], [sflag:s8] =	dma.local @!p0 [hbm:s6], $0xF7A  }
0x23: {  	s9 =	sor.u32 $0xD0000000, s2;
	s6 =	simm.s32 $0x108;
	_ =	swait.ge @!p0 [sflag:s8], $0x0  }
0x24: {  	s3 =	sadd.s32 $0x88, s3;
	s6 =	simm.s32 @!p1 $0x1082;
	[sflag:s4] =	ssyncset.s32 $0xFFFFF086  }
0x25: {  	[simem:s6], [sflag:s4] =	dma.local [hbm:s3], $0xF7A  }
0x26: {  	[smem:$0x3F99] =	sst s1;
	(tag) =	ssettag s2;
	_ =	strace s9  }
0x27: {  	s1 =	sld [smem:$0x3FA9]  }
0x28: {  	s2 =	sld [smem:$0x3FAA]  }
0x29: {  	s4 =	sld [smem:$0x3FAC]  }
0x2a: {  	p0 =	seq.s32 s5, $0x0;
	s5 =	sld [smem:$0x3FAD]  }
0x2b: {  	s6 =	sld [smem:$0x3FAE]  }
0x2c: {  	s7 =	sld [smem:$0x3FAF]  }
0x2d: {  	s3 =	simm.s32 $0x108;
	s8 =	sld [smem:$0x3FB0]  }
0x2e: {  	s3 =	simm.s32 @!p0 $0x1082;
	s9 =	sld [smem:$0x3FB1]  }
0x2f: {  	lr =	sadd.s32 s0, s3;
	s0 =	sld [smem:$0x3FA8]  }
0x30: {  	s3 =	sld [smem:$0x3FAB]  }
0x31: {  	[smem:$0x3FB4] =	sst s10  }
0x32: {  	s10 =	sld [smem:$0x3FB2];
	_ =	sdelay $0x3  }
0x33: {  	p0 =	seq.s32 s10, $0x1;
	s10 =	sld [smem:$0x3FB4];
	_ =	sdelay $0x3  }
0x34: {  	[smem:$0x3FB4] =	sst s10  }
0x35: {  	s10 =	sld [smem:$0x3FB3];
	_ =	sdelay $0x3  }
0x36: {  	p1 =	seq.s32 s10, $0x1;
	s10 =	sld [smem:$0x3FB4];
	_ =	sdelay $0x3  }
0x37: {  	[smem:$0x3FB4] =	sst s10  }
0x38: {  	s10 =	sld [smem:$0x3FB5]  }
0x39: {  	_ = 	snop;
	(pc) =	sbr.ind lr, $3  }
0x3a: {  	_ = 	snop  }
0x3b: {  	_ = 	snop  }
0x3c: {  	p2 =	seq.s32 s10, $0x1;
	s10 =	sld [smem:$0x3FB4]  }
0x3d: {  	_ =	shalt  }
0x3e: {  	_ =	shalt  }
0x3f: {  	_ =	shalt  }
0x40: {  	_ =	shalt  }
0x41: {  	_ =	shalt  }
0x42: {  	_ =	shalt  }
0x43: {  	_ =	shalt  }
0x44: {  	_ =	shalt  }
0x45: {  	_ =	shalt  }
0x46: {  	_ =	shalt  }
0x47: {  	_ =	shalt  }
0x48: {  	_ =	shalt  }
0x49: {  	_ =	shalt  }
0x4a: {  	_ =	shalt  }
0x4b: {  	_ =	shalt  }
0x4c: {  	_ =	shalt  }
0x4d: {  	_ =	shalt  }
0x4e: {  	_ =	shalt  }
0x4f: {  	_ =	shalt  }
0x50: {  	_ =	shalt  }
0x51: {  	_ =	shalt  }
0x52: {  	_ =	shalt  }
0x53: {  	_ =	shalt  }
0x54: {  	_ =	shalt  }
0x55: {  	_ =	shalt  }
0x56: {  	_ =	shalt  }
0x57: {  	_ =	shalt  }
0x58: {  	_ =	shalt  }
0x59: {  	_ =	shalt  }
0x5a: {  	_ =	shalt  }
0x5b: {  	_ =	shalt  }
0x5c: {  	_ =	shalt  }
0x5d: {  	_ =	shalt  }
0x5e: {  	_ =	shalt  }
0x5f: {  	_ =	shalt  }
0x60: {  	_ =	shalt  }
0x61: {  	_ =	shalt  }
0x62: {  	_ =	shalt  }
0x63: {  	_ =	shalt  }
0x64: {  	_ =	shalt  }
0x65: {  	_ =	shalt  }
0x66: {  	_ =	shalt  }
0x67: {  	_ =	shalt  }
0x68: {  	_ =	shalt  }
0x69: {  	_ =	shalt  }
0x6a: {  	_ =	shalt  }
0x6b: {  	_ =	shalt  }
0x6c: {  	_ =	shalt  }
0x6d: {  	_ =	shalt  }
0x6e: {  	_ =	shalt  }
0x6f: {  	_ =	shalt  }
0x70: {  	_ =	shalt  }
0x71: {  	_ =	shalt  }
0x72: {  	_ =	shalt  }
0x73: {  	_ =	shalt  }
0x74: {  	_ =	shalt  }
0x75: {  	_ =	shalt  }
0x76: {  	_ =	shalt  }
0x77: {  	_ =	shalt  }
0x78: {  	_ =	shalt  }
0x79: {  	_ =	shalt  }
0x7a: {  	_ =	shalt  }
0x7b: {  	_ =	shalt  }
0x7c: {  	_ =	shalt  }
0x7d: {  	_ =	shalt  }
0x7e: {  	_ =	shalt  }
0x7f: {  	_ =	shalt  }
0x80: {  	_ =	shalt  }
0x81: {  	_ =	shalt  }
0x82: {  	_ =	shalt  }
0x83: {  	_ =	shalt  }
0x84: {  	_ =	shalt  }
0x85: {  	_ =	shalt  }
0x86: {  	_ =	shalt  }
0x87: {  	_ =	shalt  }
.Lfunc_end0:
.L_simem_size_0:
called_computation.1_lowered:
.L_overlay_start_0:
0x88: {  	s2 =	sld [smem:$0x3FD9]  }
0x89: {  	s3 =	sld [smem:$0x3FFE];
	_ =	sdelay $0x1  }
0x8a: {  	s1 =	srdreg.scid  }
0x8b: {  	s0 =	sand.u32 $0x1, s1  }
0x8c: {  	s17 =	sshll.u32 s0, $0xA;
	s2 =	sadd.s32 s3, s2  }
0x8d: {  	s2 =	sadd.s32 s2, s17  }
0x8e: {  	[smem:$0x3FC0] =	sst s2  }
0x8f: {  	_ = 	snop  }
0x90: {  	s2 =	sld [smem:$0x3FD0];
	(tm) =	ssettm $0x1  }
0x91: {  	s18 =	sld [smem:$0x3FFB];
	_ =	sdelay $0x3  }
0x92: {  	_ =	strace s18  }
0x93: {  	s3 =	sld [smem:$0x3FFC];
	_ =	sdelay $0x3  }
0x94: {  	_ =	strace s3  }
0x95: {  	s3 =	sld [smem:$0x3FFD];
	_ =	sdelay $0x3  }
0x96: {  	_ =	strace s3  }
0x97: {  	_ =	strace $0x8FFFFFFF  }
0x98: {  	s19 =	sld [smem:$0x3FDB];
	_ =	sdelay $0x1  }
0x99: {  	s4 =	simm.s32 $_scs_section_size  }
0x9a: {  	s5 =	simm.s32 $_size__tile_overlayer_lowered;
	s6 =	simm.s32 $_tile_overlayer_lowered  }
0x9b: {  	s22 =	simm.s32 $0x1BFF;
	s21 =	sshll.u32 s6, $0x1;
	s3 =	sadd.s32 s4, s19  }
0x9c: {  	s7 =	simm.s32 $0x0;
	s20 =	sshll.u32 s5, $0x1;
	s5 =	sadd.s32 s21, s3  }
0x9d: {  	[timem:s7], [sflag:s22] =	dma.local [hbm:s5], s20  }
0x9e: {  	_ =	swait.ge [sflag:s22], s20  }
0x9f: {  	s4 =	ssub.s32 $0x0, s20;
	[sflag:s22] =	ssyncset.done $0x0  }
0xa0: {  	[sflag:s22] =	ssyncadd.s32 s4;
	_ =	sdelay $0x1  }
0xa1: {  	s23 =	simm.s32 $0x1B8B  }
0xa2: {  	_ =	swait.ge [sflag:s23], $0x1  }
0xa3: {  	[sflag:s23] =	ssyncset.done $0x0  }
0xa4: {  	s25 =	simm.s32 $0x1B8E;
	s24 =	sld [smem:$0x3FFE];
	[sflag:s23] =	ssyncadd.s32 $0xFFFFFFFF  }
0xa5: {  	s26 =	simm.s32 $execute0_lowered;
	[smem:$0x3FD2] =	sst s25  }
0xa6: {  	s5 =	sshll.u32 s26, $0x1;
	_ =	strace $0x80000049;
	[dreg:$0x1] =	wrdreg $0xFFFFFFFF  }
0xa7: {  	s28 =	simm.s32 $_size_execute0_lowered;
	s3 =	sadd.s32 s3, s5;
	[dreg:$0x0] =	wrdreg $0x0  }
0xa8: {  	s5 =	sshll.u32 s28, $0x1;
	[dreg:$0x2] =	wrdreg s3  }
0xa9: {  	[dreg:$0x3] =	wrdreg s5  }
0xaa: {  	[dreg:$0x4] =	wrdreg $0xC0  }
0xab: {  	_ =	task [dreg:s7], $0x5FFFF  }
0xac: {  	[dreg:$0x1] =	wrdreg $0xFFFFFFFF  }
0xad: {  	[dreg:$0x0] =	wrdreg $0x60  }
0xae: {  	[dreg:$0x2] =	wrdreg s24  }
0xaf: {  	[dreg:$0x3] =	wrdreg s2  }
0xb0: {  	[dreg:$0x4] =	wrdreg $0x41000  }
0xb1: {  	[dreg:$0x5] =	wrdreg $0x9  }
0xb2: {  	_ =	task.clear_ibuf [dreg:s7], $0x6FFFF;
	_ =	strace $0x90000049  }
0xb3: {  	s29 =	simm.s32 $0x9;
	_ =	strace $0x8000004B  }
0xb4: {  	_ =	swait.ge [sflag:s29], $0x1  }
0xb5: {  	[sflag:s29] =	ssyncadd.s32 $0xFFFFFFFF  }
0xb6: {  	_ =	strace $0x9000004B  }
0xb7: {  	_ =	sfence  }
0xb8: {  	s30 =	sld [smem:$0x0];
	_ =	sdelay $0x2  }
0xb9: {  	s31 =	sshll.u32 s1, $0xD;
	s1 =	sshrl.u32 s1, $0x2  }
0xba: {  	s3 =	sand.u32 $0x4000, s31;
	s1 =	sadd.s32 s1, s30  }
0xbb: {  	s0 =	sor.u32 s3, s0;
	s1 =	sshll.u32 s1, $0x11  }
0xbc: {  	s0 =	sor.u32 s1, s0  }
0xbd: {  	s0 =	sadd.s32 $0x8F2B, s0  }
0xbe: {  	[sflag:s0] =	ssyncadd.remote.s32 $0x1  }
0xbf: {  	_ =	sfence.sel $0xFFFF  }
0xc0: {  	[dreg:$0x0] =	wrdreg $0xFFFFFFFF;
	(pc) =	sbr.abs _section_cstart, $3  }
0xc1: {  	[dreg:$0x1] =	wrdreg $0xFFFFFFFF  }
0xc2: {  	_ =	task.clear_ibuf [dreg:s7], $0x2FFFF;
	_ =	strace $0x9FFFFFFF  }
0xc3: {  	(tm) =	ssettm $0x7FFFFFFF  }
tec
execute0_lowered:
.L_overlay_start_1:
0x0: {  	(tag) =	ssettag $0x1  }
0x1: {  	s5 =	rddreg [dreg:$0x0]  }
0x2: {  	s7 =	rddreg [dreg:$0x1]  }
0x3: {  	s2 =	rddreg [dreg:$0x2];
	s3 =	srdreg.scid  }
0x4: {  	s0 =	rddreg [dreg:$0x3];
	s1 =	stileid.u32  }
0x5: {  	s18 =	simm.s32 $0x100;
	s19 =	simm.s32 $0x0;
	s8 =	sand.u32 $0x1, s3  }
0x6: {  	s3 =	simm.s32 $0x0;
	s6 =	sshll.u32 s1, $0x7;
	s11 =	smul.u32 $0x13800, s1  }
0x7: {  	s9 =	sadd.s32 $0xC1600, s5;
	s14 =	smul.u32 $0x2700, s1;
	s28 =	sshll.u32 s1, $0x6  }
0x8: {  	s16 =	sadd.s32 $0x138000, s2;
	s4 =	sshll.u32 s8, $0xB;
	[smem:$0x7FF] =	sst s3  }
0x9: {  	s24 =	ssub.s32 $0x2, s8;
	s10 =	sshll.u32 s8, $0x4;
	s29 =	smul.u32 $0x138800, s8  }
0xa: {  	s17 =	smul.u32 $0x27100, s8;
	s8 =	simm.s32 $0x4F;
	s6 =	sor.u32 s6, s4  }
0xb: {  	_ =	strace $0x8000004A;
	s4 =	sadd.s32 $0x16200, s5;
	s25 =	sshrl.u32 s24, $0x1  }
0xc: {  	s10 =	sor.u32 s1, s10;
	s15 =	sadd.s32 s11, s2;
	s26 =	sshrl.u32 s11, $0x3  }
0xd: {  	s6 =	sshrl.u32 s6, $0x3;
	s12 =	ssub.s32 s24, s25;
	p0 =	slt.u32 s10, $0x4  }
0xe: {  	s30 =	sshrl.u32 s29, $0x3;
	s31 =	sadd.s32 s14, s17;
	s14 =	sshrl.u32 s15, $0x3  }
0xf: {  	s15 =	simm.s32 $0x1;
	s17 =	simm.s32 $0x80;
	s13 =	sadd.s32 s6, s5  }
0x10: {  	s5 =	sadd.s32 s7, s26;
	s6 =	sor.u32 $0x1C01, s28;
	s7 =	sadd.s32 $0x27000, s7  }
0x11: {  	s8 =	simm.s32 @!p0 $0x4E;
	s10 =	sadd.s32 s9, s30;
	s9 =	sadd.s32 s9, s31  }
0x12: {  	s11 =	smax.u32 s12, $0x1;
	p0 =	sne.s32 s1, $0xF;
	s10 =	sadd.s32 $0x27000, s10  }
0x13: {  	s12 =	sadd.s32 $0x2600, s13;
	s13 =	sadd.s32 $0xC400, s13;
	s16 =	sshrl.u32 @!p0 s16, $0x3  }
.LBB2_1:
0x14: {  	[spmem:s14], [sflag:s6] =	dma.local [hbm:s5], $0x2700  }
0x15: {  	_ =	swait.ge [sflag:s15], $0x2700  }
0x16: {  	[sflag:s15] =	ssyncset.done $0x0  }
0x17: {  	s20 =	simm.s32 @!p0 $0x1;
	[sflag:s15] =	ssyncadd.s32 $0xFFFFD900  }
0x18: {  	[spmem:s16], [sflag:s6] =	dma.local @!p0 [hbm:s7], $0x100  }
0x19: {  	_ =	swait.ge @!p0 [sflag:s20], $0x100  }
0x1a: {  	[sflag:s20] =	ssyncset.done @!p0 $0x0  }
0x1b: {  	[sflag:s20] =	ssyncadd.s32 @!p0 $0xFFFFFF00  }
0x1c: {  	[bflag:$0x0] =	sbarrier.arrive $0xFFFF  }
0x1d: {  	[tilespmem:s3], [sflag:$0x1] =	stream.linear.gather [hbm4b:s13+s3], $0x80, $0x38;
	[tilespmem:$0x17980] =	vst v63  }
0x1e: {  	_ =	swait.ge [sflag:s15], $0x80  }
0x1f: {  	[sflag:s15] =	ssyncset.done $0x0  }
0x20: {  	[sflag:s15] =	ssyncadd.s32 $0xFFFFFF80  }
0x21: {  	[tilespmem:s17], [sflag:$0x1] =	stream.linear.gather [hbm4b:s12+s3], $0x80, $0x38;
	[tilespmem:$0x17980] =	vst v63  }
0x22: {  	_ =	swait.ge [sflag:s15], $0x80  }
0x23: {  	[sflag:s15] =	ssyncset.done $0x0  }
0x24: {  	[sflag:s15] =	ssyncadd.s32 $0xFFFFFF80  }
0x25: {  	[tilespmem:s18], [sflag:$0x1] =	stream.indirect.gather [hbm4b:s4+s17], $0x80, s3, s17, $0xb8;
	[tilespmem:$0x17980] =	vst v63  }
0x26: {  	p1 =	sne.s32 s8, $0x1;
	_ =	swait.ge [sflag:s15], $0x4000  }
.Ltmp0:
0x27: {  	[sflag:s15] =	ssyncset.done $0x0;
	(pc) =	sbr.rel @!p1 .LBB2_3-.Ltmp0, $4  }
0x28: {  	[sflag:s15] =	ssyncadd.s32 $0xFFFFC000  }
0x29: {  	[spmem:s2] =	stream.indirect.scatter.add.f32 [tilespmem:s18], [sflag:$0x1], $0x80, s17, s17, $0xb8;
	[tilespmem:$0x17980] =	vst v63  }
0x2a: {  	s21 =	sadd.s32 $0xFFFFFFFF, s8;
	_ =	swait.ge [sflag:s15], $0x4000  }
0x2b: {  	s22 =	smov.u32 s12;
	s23 =	smov.u32 s13;
	[sflag:s15] =	ssyncset.done $0x0  }
.LBB2_2:
0x2c: {  	[sflag:s15] =	ssyncadd.s32 $0xFFFFC000;
	s22 =	sadd.s32 $0x200, s22;
	s23 =	sadd.s32 $0x200, s23  }
0x2d: {  	[tilespmem:s3], [sflag:$0x1] =	stream.linear.gather [hbm4b:s23+s3], $0x80, $0x38;
	[tilespmem:$0x17980] =	vst v63  }
0x2e: {  	p1 =	sne.s32 s21, $0x1;
	s21 =	sadd.s32 $0xFFFFFFFF, s21;
	_ =	swait.ge [sflag:s15], $0x80  }
0x2f: {  	[sflag:s15] =	ssyncset.done $0x0  }
0x30: {  	[sflag:s15] =	ssyncadd.s32 $0xFFFFFF80  }
0x31: {  	[tilespmem:s17], [sflag:$0x1] =	stream.linear.gather [hbm4b:s22+s3], $0x80, $0x38;
	[tilespmem:$0x17980] =	vst v63  }
0x32: {  	_ =	swait.ge [sflag:s15], $0x80  }
0x33: {  	[sflag:s15] =	ssyncset.done $0x0  }
0x34: {  	[sflag:s15] =	ssyncadd.s32 $0xFFFFFF80  }
0x35: {  	[tilespmem:s18], [sflag:$0x1] =	stream.indirect.gather [hbm4b:s4+s17], $0x80, s3, s17, $0xb8;
	[tilespmem:$0x17980] =	vst v63  }
0x36: {  	_ =	swait.ge [sflag:s15], $0x4000  }
.Ltmp1:
0x37: {  	[sflag:s15] =	ssyncset.done $0x0;
	(pc) =	sbr.rel @p1 .LBB2_2-.Ltmp1, $4  }
0x38: {  	[sflag:s15] =	ssyncadd.s32 $0xFFFFC000  }
0x39: {  	[spmem:s2] =	stream.indirect.scatter.add.f32 [tilespmem:s18], [sflag:$0x1], $0x80, s17, s17, $0xb8;
	[tilespmem:$0x17980] =	vst v63  }
0x3a: {  	_ =	swait.ge [sflag:s15], $0x4000  }
0x3b: {  	[sflag:s15] =	ssyncset.done $0x0  }
.LBB2_3:
0x3c: {  	[sflag:s15] =	ssyncadd.s32 $0xFFFFC000  }
0x3d: {  	[bflag:$0x0] =	sbarrier.arrive $0xFFFF  }
0x3e: {  	[hbm:s9], [sflag:s6] =	dma.local [spmem:s14], $0x2700  }
0x3f: {  	s19 =	sadd.s32 $0x1, s19;
	_ =	swait.ge [sflag:s15], $0x2700  }
0x40: {  	p1 =	sne.s32 s19, s11;
	[sflag:s15] =	ssyncset.done $0x0  }
.Ltmp2:
0x41: {  	[sflag:s15] =	ssyncadd.s32 $0xFFFFD900;
	(pc) =	sbr.rel @p1 .LBB2_1-.Ltmp2, $4  }
0x42: {  	[hbm:s10], [sflag:s6] =	dma.local @!p0 [spmem:s16], $0x100  }
0x43: {  	_ =	swait.ge @!p0 [sflag:s20], $0x100  }
0x44: {  	[sflag:s20] =	ssyncset.done @!p0 $0x0  }
0x45: {  	[sflag:s20] =	ssyncadd.s32 @!p0 $0xFFFFFF00  }
0x46: {  	_ =	sfence.sel $0x180000  }
0x47: {  	[bflag:$0x0] =	sbarrier.arrive $0xFFFF  }
0x48: {  	p0 =	sne.s32 s1, $0x0;
	_ =	strace $0x9000004A  }
0x49: {  	s0 =	sadd.s32 @!p0 $0x100000, s0;
	[bflag:$0x2] =	sbarrier.arrive $0xFFFF  }
0x4a: {  	[sflag:s0] =	ssyncadd.tile.s32 @!p0 $0x1;
	_ =	shalt  }
.Lfunc_end2:
_tile_overlayer_lowered:
.L_overlay_start_2:
0x4b: {  	(tag) =	ssettag $0x2  }
0x4c: {  	s0 =	rddreg [dreg:$0x0];
	s2 =	stileid.u32  }
0x4d: {  	s1 =	rddreg [dreg:$0x1];
	p0 =	sne.s32 s2, $0x0  }
0x4e: {  	s3 =	rddreg [dreg:$0x2];
	[bflag:$0x3] =	sbarrier.arrive $0xFFFF;
	s2 =	simm.s32 @!p0 $0x1C01  }
0x4f: {  	[timem:s3], [sflag:s2] =	dma.local @!p0 [hbm:s0], s1  }
0x50: {  	s0 =	simm.s32 @!p0 $0x1  }
0x51: {  	_ =	swait.ge @!p0 [sflag:s0], s1  }
0x52: {  	s1 =	ssub.s32 @!p0 $0x0, s1;
	[sflag:s0] =	ssyncset.done @!p0 $0x0  }
0x53: {  	[sflag:s0] =	ssyncadd.s32 @!p0 s1  }
0x54: {  	[bflag:$0x3] =	sbarrier.arrive $0xFFFF  }
0x55: {  	_ =	shalt  }

</sc_bundles>
